<compile_context>
chip_gen: v7x
topology: tpu7x:2x2x1
jax: 0.10.2.dev20260603
libtpu: 0.0.44.dev20260713+nightly
codegen_flags: <defaults>
</compile_context>

<pallas_src>
import functools

import jax
import jax.numpy as jnp
from jax import lax
from jax.experimental import pallas as pl
from jax.experimental.pallas import tpu as pltpu
from jax.experimental.pallas import tpu_sc as plsc

N = 10000
E = 320000
D = 128
C = 2

NC = 2
NS = 16
NW = NC * NS
EC = 80
EPT = E // NW
NCHUNK = EPT // EC
DGC = 64
DGT = 160
DGPAD = NW * DGT * DGC - E
NP = 10240
RPT = NP // NS


_mesh = plsc.VectorSubcoreMesh(core_axis_name="c", subcore_axis_name="s")


@functools.partial(
    pl.kernel,
    mesh=_mesh,
    out_type=jax.ShapeDtypeStruct((NC, NP), jnp.float32),
    scratch_types=[
        pltpu.VMEM((DGT, DGC), jnp.int32),
        pltpu.VMEM((DGC,), jnp.float32),
        pltpu.VMEM((RPT,), jnp.float32),
        pltpu.VMEM_SHARED((NP,), jnp.float32),
    ],
)
def _deg(dstp_hbm, out_hbm, dst_v, ones_v, zbuf_v, acc_sh):
    cid = lax.axis_index("c")
    sid = lax.axis_index("s")
    wid = cid * NS + sid

    one16 = jnp.ones((16,), jnp.float32)
    for j in range(DGC // 16):
        ones_v[pl.ds(j * 16, 16)] = one16
    z16 = jnp.zeros((16,), jnp.float32)

    def zb(i, carry):
        zbuf_v[pl.ds(i * 16, 16)] = z16
        return carry

    lax.fori_loop(0, RPT // 16, zb, 0)
    pltpu.sync_copy(zbuf_v, acc_sh.at[pl.ds(sid * RPT, RPT)])
    pltpu.sync_copy(dstp_hbm.at[wid], dst_v)
    plsc.subcore_barrier()

    def chunk(j, carry):
        pltpu.sync_copy(ones_v, acc_sh.at[dst_v.at[j]], add=True)
        return carry

    lax.fori_loop(0, DGT, chunk, 0)
    plsc.subcore_barrier()
    pltpu.sync_copy(acc_sh.at[pl.ds(sid * RPT, RPT)],
                    out_hbm.at[cid, pl.ds(sid * RPT, RPT)])


@functools.partial(
    pl.kernel,
    mesh=_mesh,
    out_type=jax.ShapeDtypeStruct((NC, NP, D), jnp.float32),
    scratch_types=[
        pltpu.VMEM((EC,), jnp.int32),
        pltpu.VMEM((EC,), jnp.int32),
        pltpu.VMEM((EC,), jnp.int32),
        pltpu.VMEM((EC,), jnp.int32),
        pltpu.VMEM((EC, D), jnp.float32),
        pltpu.VMEM((EC, D), jnp.float32),
        pltpu.VMEM_SHARED((NP, D), jnp.float32),
        pltpu.SemaphoreType.DMA,
        pltpu.SemaphoreType.DMA,
    ],
)
def _agg(hs_hbm, src_hbm, dst_hbm, out_hbm, src_a, src_b, dst_a, dst_b,
         rows_a, rows_b, acc_sh, sem_a, sem_b):
    cid = lax.axis_index("c")
    sid = lax.axis_index("s")
    wid = cid * NS + sid

    z16 = jnp.zeros((16,), jnp.float32)

    def zrow(i, carry):
        for j in range(D // 16):
            rows_a[i, pl.ds(j * 16, 16)] = z16
        return carry

    lax.fori_loop(0, EC, zrow, 0)

    row0 = sid * RPT
    for r in range(RPT // EC):
        pltpu.sync_copy(rows_a, acc_sh.at[pl.ds(row0 + r * EC, EC)])
    plsc.subcore_barrier()

    ebase = wid * EPT

    def load_idx(c, src_v, dst_v):
        off = ebase + c * EC
        pltpu.sync_copy(src_hbm.at[pl.ds(off, EC)], src_v)
        pltpu.sync_copy(dst_hbm.at[pl.ds(off, EC)], dst_v)

    def gather_start(src_v, rows, sem):
        pltpu.async_copy(hs_hbm.at[src_v], rows, sem)

    def gather_wait(src_v, rows, sem):
        pltpu.make_async_copy(hs_hbm.at[src_v], rows, sem).wait()

    def scatter(dst_v, rows):
        pltpu.sync_copy(rows, acc_sh.at[dst_v], add=True)

    load_idx(0, src_a, dst_a)
    gather_start(src_a, rows_a, sem_a)

    def body(j, carry):
        c = 2 * j
        load_idx(c + 1, src_b, dst_b)
        gather_start(src_b, rows_b, sem_b)
        gather_wait(src_a, rows_a, sem_a)
        scatter(dst_a, rows_a)
        load_idx(c + 2, src_a, dst_a)
        gather_start(src_a, rows_a, sem_a)
        gather_wait(src_b, rows_b, sem_b)
        scatter(dst_b, rows_b)
        return carry

    lax.fori_loop(0, NCHUNK // 2, body, 0)
    gather_wait(src_a, rows_a, sem_a)
    scatter(dst_a, rows_a)

    plsc.subcore_barrier()
    pltpu.sync_copy(acc_sh.at[pl.ds(row0, RPT)],
                    out_hbm.at[cid, pl.ds(row0, RPT)])


BLK = 2000
GRID = N // BLK
_HI = lax.Precision.HIGHEST


def _tc1_body(degT_ref, x_ref, w1_ref, dis_ref, hs1_ref):
    deg = degT_ref[...]
    dis = lax.rsqrt(deg[:, 0:1] + deg[:, 1:2] + 1.0)
    dis_ref[...] = dis
    mm = jnp.dot(x_ref[...], w1_ref[...], preferred_element_type=jnp.float32,
                 precision=_HI)
    hs1_ref[...] = mm * dis


_tc1 = pl.pallas_call(
    _tc1_body,
    grid=(GRID,),
    in_specs=[
        pl.BlockSpec((BLK, NC), lambda i: (i, 0)),
        pl.BlockSpec((BLK, D), lambda i: (i, 0)),
        pl.BlockSpec((D, D), lambda i: (0, 0)),
    ],
    out_specs=[
        pl.BlockSpec((BLK, 1), lambda i: (i, 0)),
        pl.BlockSpec((BLK, D), lambda i: (i, 0)),
    ],
    out_shape=[
        jax.ShapeDtypeStruct((N, 1), jnp.float32),
        jax.ShapeDtypeStruct((N, D), jnp.float32),
    ],
)


def _tc2_body(a0_ref, a1_ref, hs1_ref, dis_ref, b1_ref, w2_ref, hs2_ref):
    dis = dis_ref[...]
    t = a0_ref[0] + a1_ref[0] + hs1_ref[...]
    h1 = jnp.maximum(dis * t + b1_ref[...], 0.0)
    hs2_ref[...] = jnp.dot(h1, w2_ref[...], preferred_element_type=jnp.float32,
                           precision=_HI) * dis


_tc2 = pl.pallas_call(
    _tc2_body,
    grid=(GRID,),
    in_specs=[
        pl.BlockSpec((1, BLK, D), lambda i: (0, i, 0)),
        pl.BlockSpec((1, BLK, D), lambda i: (1, i, 0)),
        pl.BlockSpec((BLK, D), lambda i: (i, 0)),
        pl.BlockSpec((BLK, 1), lambda i: (i, 0)),
        pl.BlockSpec((1, D), lambda i: (0, 0)),
        pl.BlockSpec((D, D), lambda i: (0, 0)),
    ],
    out_specs=pl.BlockSpec((BLK, D), lambda i: (i, 0)),
    out_shape=jax.ShapeDtypeStruct((N, D), jnp.float32),
)


def _tc3_body(a0_ref, a1_ref, hs2_ref, dis_ref, b2_ref, wc_ref, bc_ref,
              logits_ref, h2_ref):
    dis = dis_ref[...]
    t = a0_ref[0] + a1_ref[0] + hs2_ref[...]
    h2 = jnp.maximum(dis * t + b2_ref[...], 0.0)
    h2_ref[...] = h2
    logits_ref[...] = jnp.dot(h2, wc_ref[...],
                              preferred_element_type=jnp.float32,
                              precision=_HI) + bc_ref[...]


_tc3 = pl.pallas_call(
    _tc3_body,
    grid=(GRID,),
    in_specs=[
        pl.BlockSpec((1, BLK, D), lambda i: (0, i, 0)),
        pl.BlockSpec((1, BLK, D), lambda i: (1, i, 0)),
        pl.BlockSpec((BLK, D), lambda i: (i, 0)),
        pl.BlockSpec((BLK, 1), lambda i: (i, 0)),
        pl.BlockSpec((1, D), lambda i: (0, 0)),
        pl.BlockSpec((D, C), lambda i: (0, 0)),
        pl.BlockSpec((1, C), lambda i: (0, 0)),
    ],
    out_specs=[
        pl.BlockSpec((BLK, C), lambda i: (i, 0)),
        pl.BlockSpec((BLK, D), lambda i: (i, 0)),
    ],
    out_shape=[
        jax.ShapeDtypeStruct((N, C), jnp.float32),
        jax.ShapeDtypeStruct((N, D), jnp.float32),
    ],
)


def kernel(x, edge_index, W1, b1, W2, b2, Wc, bc):
    ei = edge_index.astype(jnp.int32)
    src = ei[0]
    dst = ei[1]
    pad_dst = N + (jnp.arange(DGPAD, dtype=jnp.int32) % (NP - N))
    dstp = jnp.concatenate([dst, pad_dst]).reshape(NW, DGT, DGC)
    degp = _deg(dstp)
    dis, hs1 = _tc1(degp[:, :N].T, x, W1)
    agg1 = _agg(hs1, src, dst)
    hs2 = _tc2(agg1, agg1, hs1, dis, b1.reshape(1, D), W2)
    agg2 = _agg(hs2, src, dst)
    logits, h2 = _tc3(agg2, agg2, hs2, dis, b2.reshape(1, D),
                      Wc, bc.reshape(1, C))
    return (logits, h2)

# --- scband reference (transcript-rebuilt; emitter-appended) ---
"""Pipeline reference for scband-gcn-61572651155681 (READ-ONLY COPY).

The authoritative reference and input builder live on the scoring server;
editing this copy changes nothing except your own understanding.
"""

import jax, jax.numpy as jnp
import numpy as np

N = 10000
E = 320000
D = 128
H = 128
C = 2


def setup_inputs(seed: int = 0) -> dict:
    key = jax.random.key(seed)
    ks = jax.random.split(key, 8)
    x = jax.random.normal(ks[0], (N, D), dtype=jnp.float32)
    edge_index = jax.random.randint(ks[1], (2, E), 0, N)
    W1 = jax.random.normal(ks[2], (D, H), dtype=jnp.float32) * (1.0 / np.sqrt(D))
    b1 = jnp.zeros((H,), dtype=jnp.float32)
    W2 = jax.random.normal(ks[3], (H, H), dtype=jnp.float32) * (1.0 / np.sqrt(H))
    b2 = jnp.zeros((H,), dtype=jnp.float32)
    Wc = jax.random.normal(ks[4], (H, C), dtype=jnp.float32) * (1.0 / np.sqrt(H))
    bc = jnp.zeros((C,), dtype=jnp.float32)
    return {"x": x, "edge_index": edge_index, "W1": W1, "b1": b1, "W2": W2, "b2": b2, "Wc": Wc, "bc": bc}


def gcn_conv(x, edge_index, W, b):
    # PyG GCNConv: add self-loops, symmetric normalization, scatter-add aggregation
    num_nodes = x.shape[0]
    loop = jnp.arange(num_nodes, dtype=edge_index.dtype)
    src = jnp.concatenate([edge_index[0], loop])
    dst = jnp.concatenate([edge_index[1], loop])
    ew = jnp.ones((src.shape[0],), dtype=x.dtype)
    deg = jnp.zeros((num_nodes,), dtype=x.dtype).at[dst].add(ew)
    deg_inv_sqrt = jnp.where(deg > 0, 1.0 / jnp.sqrt(deg), 0.0)
    norm = deg_inv_sqrt[src] * deg_inv_sqrt[dst]
    h = x @ W
    msg = h[src] * norm[:, None]
    out = jnp.zeros((num_nodes, W.shape[1]), dtype=x.dtype).at[dst].add(msg)
    return out + b


def reference(x, edge_index, W1, b1, W2, b2, Wc, bc):
    h = jax.nn.relu(gcn_conv(x, edge_index, W1, b1))
    h = jax.nn.relu(gcn_conv(h, edge_index, W2, b2))
    embeddings = h
    logits = h @ Wc + bc
    return (logits, embeddings)

if __name__ == "__main__":
    import jax
    _d = setup_inputs()
    print(jax.jit(kernel)(*tuple(_d.values())))

</pallas_src>

<mosaic_0001>
#map = affine_map<(d0, d1) -> (0, 0, 0)>
#map1 = affine_map<(d0, d1) -> (0, 0)>
module attributes {stable_mosaic.version = 14 : i64} {
  func.func @_deg(%arg0: i32, %arg1: i32, %arg2: memref<32x160x64xi32, #tpu.memory_space<hbm>>, %arg3: memref<2x10240xf32, #tpu.memory_space<hbm>>, %arg4: memref<160x64xi32, #tpu.memory_space<vmem>>, %arg5: memref<64xf32, #tpu.memory_space<vmem>>, %arg6: memref<640xf32, #tpu.memory_space<vmem>>, %arg7: memref<10240xf32, #tpu.memory_space<vmem_shared>>) attributes {dimension_semantics = [#tpu.dimension_semantics<core_parallel>, #tpu.dimension_semantics<subcore_parallel>], iteration_bounds = array<i64: 2, 16>, scalar_prefetch = 0 : i64, scratch_operands = 4 : i64, tpu.core_type = #tpu.core_type<sc_vector_subcore>, window_params = [{transform_indices = #map}, {transform_indices = #map1}]} {
    %mul3A = arith.constant 16 : i32
    %mul3A_0 = arith.muli %arg0, %mul3A : i32
    %add3A = arith.addi %mul3A_0, %arg1 : i32
    %broadcast_in_dim3A = arith.constant 1.000000e+00 : f32
    %broadcast_in_dim3A_1 = vector.broadcast %broadcast_in_dim3A : f32 to vector<16xf32>
    %swap3A = arith.constant 0 : index
    %swap3A_2 = tpu.vector_load %arg5[%swap3A] {strides = array<i32>} : memref<64xf32, #tpu.memory_space<vmem>>, vector<16xf32>,
    %swap3A_3 = vector.shape_cast %swap3A_2 : vector<16xf32> to vector<16xf32>
    %swap3A_4 = vector.shape_cast %broadcast_in_dim3A_1 : vector<16xf32> to vector<16xf32>
    tpu.vector_store %arg5[%swap3A], %swap3A_4 {strides = array<i32>} : memref<64xf32, #tpu.memory_space<vmem>>, vector<16xf32>,
    %swap3A_5 = arith.constant 16 : index
    %swap3A_6 = tpu.vector_load %arg5[%swap3A_5] {strides = array<i32>} : memref<64xf32, #tpu.memory_space<vmem>>, vector<16xf32>,
    %swap3A_7 = vector.shape_cast %swap3A_6 : vector<16xf32> to vector<16xf32>
    %swap3A_8 = vector.shape_cast %broadcast_in_dim3A_1 : vector<16xf32> to vector<16xf32>
    tpu.vector_store %arg5[%swap3A_5], %swap3A_8 {strides = array<i32>} : memref<64xf32, #tpu.memory_space<vmem>>, vector<16xf32>,
    %swap3A_9 = arith.constant 32 : index
    %swap3A_10 = tpu.vector_load %arg5[%swap3A_9] {strides = array<i32>} : memref<64xf32, #tpu.memory_space<vmem>>, vector<16xf32>,
    %swap3A_11 = vector.shape_cast %swap3A_10 : vector<16xf32> to vector<16xf32>
    %swap3A_12 = vector.shape_cast %broadcast_in_dim3A_1 : vector<16xf32> to vector<16xf32>
    tpu.vector_store %arg5[%swap3A_9], %swap3A_12 {strides = array<i32>} : memref<64xf32, #tpu.memory_space<vmem>>, vector<16xf32>,
    %swap3A_13 = arith.constant 48 : index
    %swap3A_14 = tpu.vector_load %arg5[%swap3A_13] {strides = array<i32>} : memref<64xf32, #tpu.memory_space<vmem>>, vector<16xf32>,
    %swap3A_15 = vector.shape_cast %swap3A_14 : vector<16xf32> to vector<16xf32>
    %swap3A_16 = vector.shape_cast %broadcast_in_dim3A_1 : vector<16xf32> to vector<16xf32>
    tpu.vector_store %arg5[%swap3A_13], %swap3A_16 {strides = array<i32>} : memref<64xf32, #tpu.memory_space<vmem>>, vector<16xf32>,
    %broadcast_in_dim3A_17 = arith.constant 0.000000e+00 : f32
    %broadcast_in_dim3A_18 = vector.broadcast %broadcast_in_dim3A_17 : f32 to vector<16xf32>
    %scan3A = arith.constant 0 : i32
    %scan3A_19 = arith.constant 0 : i32
    %scan3A_20 = arith.constant 40 : i32
    %scan3A_21 = arith.addi %scan3A_19, %scan3A_20 : i32
    %scan3A_22 = arith.constant 1 : i32
    scf.for %scan3A_37 = %scan3A_19 to %scan3A_21 step %scan3A_22  : i32 {
      %mul3A_38 = arith.constant 16 : i32
      %mul3A_39 = arith.muli %scan3A_37, %mul3A_38 : i32
      %swap3A_40 = arith.index_cast %mul3A_39 : i32 to index
      %swap3A_41 = tpu.vector_load %arg6[%swap3A_40] {strides = array<i32>} : memref<640xf32, #tpu.memory_space<vmem>>, vector<16xf32>,
      %swap3A_42 = vector.shape_cast %swap3A_41 : vector<16xf32> to vector<16xf32>
      %swap3A_43 = vector.shape_cast %broadcast_in_dim3A_18 : vector<16xf32> to vector<16xf32>
      tpu.vector_store %arg6[%swap3A_40], %swap3A_43 {strides = array<i32>} : memref<640xf32, #tpu.memory_space<vmem>>, vector<16xf32>,
    }
    %scan3A_23 = arith.constant 40 : i32
    %mul3A_24 = arith.constant 640 : i32
    %mul3A_25 = arith.muli %arg1, %mul3A_24 : i32
    "tpu.region"() ({
      %run_scoped3A = tpu.sem_alloc : memref<!tpu.dma_semaphore, #tpu.memory_space<semaphore_mem>>
      %dma_start3A = tpu.memref_slice %arg7[%mul3A_25] : memref<10240xf32, #tpu.memory_space<vmem_shared>> -> memref<640xf32, #tpu.memory_space<vmem_shared>>
      %dma_start3A_37 = tpu.memref_slice %arg7[%mul3A_25] : memref<10240xf32, #tpu.memory_space<vmem_shared>> -> memref<640xf32, #tpu.memory_space<vmem_shared>>
      tpu.enqueue_dma source(%arg6 : memref<640xf32, #tpu.memory_space<vmem>>) target(%dma_start3A_37 : memref<640xf32, #tpu.memory_space<vmem_shared>>) target_semaphore(%run_scoped3A : memref<!tpu.dma_semaphore, #tpu.memory_space<semaphore_mem>>)
      %dma_wait3A = tpu.memref_slice %arg7[%mul3A_25] : memref<10240xf32, #tpu.memory_space<vmem_shared>> -> memref<640xf32, #tpu.memory_space<vmem_shared>>
      %dma_wait3A_38 = tpu.memref_slice %arg7[%mul3A_25] : memref<10240xf32, #tpu.memory_space<vmem_shared>> -> memref<640xf32, #tpu.memory_space<vmem_shared>>
      tpu.wait_dma2 semaphore(%run_scoped3A : memref<!tpu.dma_semaphore, #tpu.memory_space<semaphore_mem>>) src(%arg6 : memref<640xf32, #tpu.memory_space<vmem>>) dst(%dma_wait3A_38 : memref<640xf32, #tpu.memory_space<vmem_shared>>)
      tpu.yield
    }) : () -> ()
    "tpu.region"() ({
      %run_scoped3A = tpu.sem_alloc : memref<!tpu.dma_semaphore, #tpu.memory_space<semaphore_mem>>
      %dma_start3A = arith.constant 0 : i32
      %dma_start3A_37 = arith.constant 0 : i32
      %dma_start3A_38 = tpu.memref_slice %arg2[%add3A, %dma_start3A, %dma_start3A_37] : memref<32x160x64xi32, #tpu.memory_space<hbm>> -> memref<1x160x64xi32, #tpu.memory_space<hbm>>
      %dma_start3A_39 = tpu.memref_squeeze %dma_start3A_38 : memref<1x160x64xi32, #tpu.memory_space<hbm>> -> memref<160x64xi32, #tpu.memory_space<hbm>>
      %dma_start3A_40 = arith.constant 0 : i32
      %dma_start3A_41 = arith.constant 0 : i32
      %dma_start3A_42 = tpu.memref_slice %arg2[%add3A, %dma_start3A_40, %dma_start3A_41] : memref<32x160x64xi32, #tpu.memory_space<hbm>> -> memref<1x160x64xi32, #tpu.memory_space<hbm>>
      %dma_start3A_43 = tpu.memref_squeeze %dma_start3A_42 : memref<1x160x64xi32, #tpu.memory_space<hbm>> -> memref<160x64xi32, #tpu.memory_space<hbm>>
      tpu.enqueue_dma source(%dma_start3A_43 : memref<160x64xi32, #tpu.memory_space<hbm>>) target(%arg4 : memref<160x64xi32, #tpu.memory_space<vmem>>) target_semaphore(%run_scoped3A : memref<!tpu.dma_semaphore, #tpu.memory_space<semaphore_mem>>)
      %dma_wait3A = arith.constant 0 : i32
      %dma_wait3A_44 = arith.constant 0 : i32
      %dma_wait3A_45 = tpu.memref_slice %arg2[%add3A, %dma_wait3A, %dma_wait3A_44] : memref<32x160x64xi32, #tpu.memory_space<hbm>> -> memref<1x160x64xi32, #tpu.memory_space<hbm>>
      %dma_wait3A_46 = tpu.memref_squeeze %dma_wait3A_45 : memref<1x160x64xi32, #tpu.memory_space<hbm>> -> memref<160x64xi32, #tpu.memory_space<hbm>>
      %dma_wait3A_47 = arith.constant 0 : i32
      %dma_wait3A_48 = arith.constant 0 : i32
      %dma_wait3A_49 = tpu.memref_slice %arg2[%add3A, %dma_wait3A_47, %dma_wait3A_48] : memref<32x160x64xi32, #tpu.memory_space<hbm>> -> memref<1x160x64xi32, #tpu.memory_space<hbm>>
      %dma_wait3A_50 = tpu.memref_squeeze %dma_wait3A_49 : memref<1x160x64xi32, #tpu.memory_space<hbm>> -> memref<160x64xi32, #tpu.memory_space<hbm>>
      tpu.wait_dma2 semaphore(%run_scoped3A : memref<!tpu.dma_semaphore, #tpu.memory_space<semaphore_mem>>) src(%dma_wait3A_50 : memref<160x64xi32, #tpu.memory_space<hbm>>) dst(%arg4 : memref<160x64xi32, #tpu.memory_space<vmem>>)
      tpu.yield
    }) : () -> ()
    %barrier3A = arith.constant 0 : index
    tpu.barrier barrier_id(%barrier3A)
    %scan3A_26 = arith.constant 0 : i32
    %scan3A_27 = arith.constant 0 : i32
    %scan3A_28 = arith.constant 160 : i32
    %scan3A_29 = arith.addi %scan3A_27, %scan3A_28 : i32
    %scan3A_30 = arith.constant 1 : i32
    scf.for %scan3A_37 = %scan3A_27 to %scan3A_29 step %scan3A_30  : i32 {
      "tpu.region"() ({
        %run_scoped3A = tpu.sem_alloc : memref<!tpu.dma_semaphore, #tpu.memory_space<semaphore_mem>>
        %dma_start3A = arith.constant 0 : i32
        %dma_start3A_38 = tpu.memref_slice %arg4[%scan3A_37, %dma_start3A] : memref<160x64xi32, #tpu.memory_space<vmem>> -> memref<1x64xi32, #tpu.memory_space<vmem>>
        %dma_start3A_39 = tpu.memref_squeeze %dma_start3A_38 : memref<1x64xi32, #tpu.memory_space<vmem>> -> memref<64xi32, #tpu.memory_space<vmem>>
        %dma_start3A_40 = arith.constant 0 : i32
        %dma_start3A_41 = tpu.memref_slice %arg7[%dma_start3A_40] : memref<10240xf32, #tpu.memory_space<vmem_shared>> -> memref<10240xf32, #tpu.memory_space<vmem_shared>>
        tpu.enqueue_indirect_dma source(%arg5 : memref<64xf32, #tpu.memory_space<vmem>>) target(%dma_start3A_41 : memref<10240xf32, #tpu.memory_space<vmem_shared>>) offsets(%dma_start3A_39 : memref<64xi32, #tpu.memory_space<vmem>>) semaphore(%run_scoped3A : memref<!tpu.dma_semaphore, #tpu.memory_space<semaphore_mem>>) {add = true}
        %dma_wait3A = arith.constant 0 : i32
        %dma_wait3A_42 = tpu.memref_slice %arg4[%scan3A_37, %dma_wait3A] : memref<160x64xi32, #tpu.memory_space<vmem>> -> memref<1x64xi32, #tpu.memory_space<vmem>>
        %dma_wait3A_43 = tpu.memref_squeeze %dma_wait3A_42 : memref<1x64xi32, #tpu.memory_space<vmem>> -> memref<64xi32, #tpu.memory_space<vmem>>
        %dma_wait3A_44 = arith.constant 0 : i32
        %dma_wait3A_45 = tpu.memref_slice %arg7[%dma_wait3A_44] : memref<10240xf32, #tpu.memory_space<vmem_shared>> -> memref<10240xf32, #tpu.memory_space<vmem_shared>>
        tpu.wait_indirect_dma semaphore(%run_scoped3A : memref<!tpu.dma_semaphore, #tpu.memory_space<semaphore_mem>>) src(%arg5 : memref<64xf32, #tpu.memory_space<vmem>>) dst(%dma_wait3A_45 : memref<10240xf32, #tpu.memory_space<vmem_shared>>)
        tpu.yield
      }) : () -> ()
    }
    %scan3A_31 = arith.constant 160 : i32
    %barrier3A_32 = arith.constant 0 : index
    tpu.barrier barrier_id(%barrier3A_32)
    %mul3A_33 = arith.constant 640 : i32
    %mul3A_34 = arith.muli %arg1, %mul3A_33 : i32
    %mul3A_35 = arith.constant 640 : i32
    %mul3A_36 = arith.muli %arg1, %mul3A_35 : i32
    "tpu.region"() ({
      %run_scoped3A = tpu.sem_alloc : memref<!tpu.dma_semaphore, #tpu.memory_space<semaphore_mem>>
      %dma_start3A = tpu.memref_slice %arg3[%arg0, %mul3A_36] : memref<2x10240xf32, #tpu.memory_space<hbm>> -> memref<1x640xf32, #tpu.memory_space<hbm>>
      %dma_start3A_37 = tpu.memref_squeeze %dma_start3A : memref<1x640xf32, #tpu.memory_space<hbm>> -> memref<640xf32, #tpu.memory_space<hbm>>
      %dma_start3A_38 = tpu.memref_slice %arg7[%mul3A_34] : memref<10240xf32, #tpu.memory_space<vmem_shared>> -> memref<640xf32, #tpu.memory_space<vmem_shared>>
      tpu.enqueue_dma source(%dma_start3A_38 : memref<640xf32, #tpu.memory_space<vmem_shared>>) target(%dma_start3A_37 : memref<640xf32, #tpu.memory_space<hbm>>) target_semaphore(%run_scoped3A : memref<!tpu.dma_semaphore, #tpu.memory_space<semaphore_mem>>)
      %dma_wait3A = tpu.memref_slice %arg3[%arg0, %mul3A_36] : memref<2x10240xf32, #tpu.memory_space<hbm>> -> memref<1x640xf32, #tpu.memory_space<hbm>>
      %dma_wait3A_39 = tpu.memref_squeeze %dma_wait3A : memref<1x640xf32, #tpu.memory_space<hbm>> -> memref<640xf32, #tpu.memory_space<hbm>>
      %dma_wait3A_40 = tpu.memref_slice %arg7[%mul3A_34] : memref<10240xf32, #tpu.memory_space<vmem_shared>> -> memref<640xf32, #tpu.memory_space<vmem_shared>>
      tpu.wait_dma2 semaphore(%run_scoped3A : memref<!tpu.dma_semaphore, #tpu.memory_space<semaphore_mem>>) src(%dma_wait3A_40 : memref<640xf32, #tpu.memory_space<vmem_shared>>) dst(%dma_wait3A_39 : memref<640xf32, #tpu.memory_space<hbm>>)
      tpu.yield
    }) : () -> ()
    return
  }
}

#map = affine_map<(d0, d1) -> (0, 0)>
#map1 = affine_map<(d0, d1) -> (0)>
#map2 = affine_map<(d0, d1) -> (0, 0, 0)>
module attributes {stable_mosaic.version = 14 : i64} {
  func.func @_agg(%arg0: i32, %arg1: i32, %arg2: memref<10000x128xf32, #tpu.memory_space<hbm>>, %arg3: memref<320000xi32, #tpu.memory_space<hbm>>, %arg4: memref<320000xi32, #tpu.memory_space<hbm>>, %arg5: memref<2x10240x128xf32, #tpu.memory_space<hbm>>, %arg6: memref<80xi32, #tpu.memory_space<vmem>>, %arg7: memref<80xi32, #tpu.memory_space<vmem>>, %arg8: memref<80xi32, #tpu.memory_space<vmem>>, %arg9: memref<80xi32, #tpu.memory_space<vmem>>, %arg10: memref<80x128xf32, #tpu.memory_space<vmem>>, %arg11: memref<80x128xf32, #tpu.memory_space<vmem>>, %arg12: memref<10240x128xf32, #tpu.memory_space<vmem_shared>>, %arg13: memref<!tpu.dma_semaphore, #tpu.memory_space<semaphore_mem>>, %arg14: memref<!tpu.dma_semaphore, #tpu.memory_space<semaphore_mem>>) attributes {dimension_semantics = [#tpu.dimension_semantics<core_parallel>, #tpu.dimension_semantics<subcore_parallel>], iteration_bounds = array<i64: 2, 16>, scalar_prefetch = 0 : i64, scratch_operands = 9 : i64, tpu.core_type = #tpu.core_type<sc_vector_subcore>, window_params = [{transform_indices = #map}, {transform_indices = #map1}, {transform_indices = #map1}, {transform_indices = #map2}]} {
    %mul3A = arith.constant 16 : i32
    %mul3A_0 = arith.muli %arg0, %mul3A : i32
    %add3A = arith.addi %mul3A_0, %arg1 : i32
    %broadcast_in_dim3A = arith.constant 0.000000e+00 : f32
    %broadcast_in_dim3A_1 = vector.broadcast %broadcast_in_dim3A : f32 to vector<16xf32>
    %scan3A = arith.constant 0 : i32
    %scan3A_2 = arith.constant 0 : i32
    %scan3A_3 = arith.constant 80 : i32
    %scan3A_4 = arith.addi %scan3A_2, %scan3A_3 : i32
    %scan3A_5 = arith.constant 1 : i32
    scf.for %scan3A_40 = %scan3A_2 to %scan3A_4 step %scan3A_5  : i32 {
      %swap3A = arith.index_cast %scan3A_40 : i32 to index
      %swap3A_41 = arith.constant 0 : index
      %swap3A_42 = tpu.vector_load %arg10[%swap3A, %swap3A_41] {strides = array<i32>} : memref<80x128xf32, #tpu.memory_space<vmem>>, vector<1x16xf32>,
      %swap3A_43 = vector.shape_cast %swap3A_42 : vector<1x16xf32> to vector<16xf32>
      %swap3A_44 = vector.shape_cast %broadcast_in_dim3A_1 : vector<16xf32> to vector<1x16xf32>
      tpu.vector_store %arg10[%swap3A, %swap3A_41], %swap3A_44 {strides = array<i32>} : memref<80x128xf32, #tpu.memory_space<vmem>>, vector<1x16xf32>,
      %swap3A_45 = arith.index_cast %scan3A_40 : i32 to index
      %swap3A_46 = arith.constant 16 : index
      %swap3A_47 = tpu.vector_load %arg10[%swap3A_45, %swap3A_46] {strides = array<i32>} : memref<80x128xf32, #tpu.memory_space<vmem>>, vector<1x16xf32>,
      %swap3A_48 = vector.shape_cast %swap3A_47 : vector<1x16xf32> to vector<16xf32>
      %swap3A_49 = vector.shape_cast %broadcast_in_dim3A_1 : vector<16xf32> to vector<1x16xf32>
      tpu.vector_store %arg10[%swap3A_45, %swap3A_46], %swap3A_49 {strides = array<i32>} : memref<80x128xf32, #tpu.memory_space<vmem>>, vector<1x16xf32>,
      %swap3A_50 = arith.index_cast %scan3A_40 : i32 to index
      %swap3A_51 = arith.constant 32 : index
      %swap3A_52 = tpu.vector_load %arg10[%swap3A_50, %swap3A_51] {strides = array<i32>} : memref<80x128xf32, #tpu.memory_space<vmem>>, vector<1x16xf32>,
      %swap3A_53 = vector.shape_cast %swap3A_52 : vector<1x16xf32> to vector<16xf32>
      %swap3A_54 = vector.shape_cast %broadcast_in_dim3A_1 : vector<16xf32> to vector<1x16xf32>
      tpu.vector_store %arg10[%swap3A_50, %swap3A_51], %swap3A_54 {strides = array<i32>} : memref<80x128xf32, #tpu.memory_space<vmem>>, vector<1x16xf32>,
      %swap3A_55 = arith.index_cast %scan3A_40 : i32 to index
      %swap3A_56 = arith.constant 48 : index
      %swap3A_57 = tpu.vector_load %arg10[%swap3A_55, %swap3A_56] {strides = array<i32>} : memref<80x128xf32, #tpu.memory_space<vmem>>, vector<1x16xf32>,
      %swap3A_58 = vector.shape_cast %swap3A_57 : vector<1x16xf32> to vector<16xf32>
      %swap3A_59 = vector.shape_cast %broadcast_in_dim3A_1 : vector<16xf32> to vector<1x16xf32>
      tpu.vector_store %arg10[%swap3A_55, %swap3A_56], %swap3A_59 {strides = array<i32>} : memref<80x128xf32, #tpu.memory_space<vmem>>, vector<1x16xf32>,
      %swap3A_60 = arith.index_cast %scan3A_40 : i32 to index
      %swap3A_61 = arith.constant 64 : index
      %swap3A_62 = tpu.vector_load %arg10[%swap3A_60, %swap3A_61] {strides = array<i32>} : memref<80x128xf32, #tpu.memory_space<vmem>>, vector<1x16xf32>,
      %swap3A_63 = vector.shape_cast %swap3A_62 : vector<1x16xf32> to vector<16xf32>
      %swap3A_64 = vector.shape_cast %broadcast_in_dim3A_1 : vector<16xf32> to vector<1x16xf32>
      tpu.vector_store %arg10[%swap3A_60, %swap3A_61], %swap3A_64 {strides = array<i32>} : memref<80x128xf32, #tpu.memory_space<vmem>>, vector<1x16xf32>,
      %swap3A_65 = arith.index_cast %scan3A_40 : i32 to index
      %swap3A_66 = arith.constant 80 : index
      %swap3A_67 = tpu.vector_load %arg10[%swap3A_65, %swap3A_66] {strides = array<i32>} : memref<80x128xf32, #tpu.memory_space<vmem>>, vector<1x16xf32>,
      %swap3A_68 = vector.shape_cast %swap3A_67 : vector<1x16xf32> to vector<16xf32>
      %swap3A_69 = vector.shape_cast %broadcast_in_dim3A_1 : vector<16xf32> to vector<1x16xf32>
      tpu.vector_store %arg10[%swap3A_65, %swap3A_66], %swap3A_69 {strides = array<i32>} : memref<80x128xf32, #tpu.memory_space<vmem>>, vector<1x16xf32>,
      %swap3A_70 = arith.index_cast %scan3A_40 : i32 to index
      %swap3A_71 = arith.constant 96 : index
      %swap3A_72 = tpu.vector_load %arg10[%swap3A_70, %swap3A_71] {strides = array<i32>} : memref<80x128xf32, #tpu.memory_space<vmem>>, vector<1x16xf32>,
      %swap3A_73 = vector.shape_cast %swap3A_72 : vector<1x16xf32> to vector<16xf32>
      %swap3A_74 = vector.shape_cast %broadcast_in_dim3A_1 : vector<16xf32> to vector<1x16xf32>
      tpu.vector_store %arg10[%swap3A_70, %swap3A_71], %swap3A_74 {strides = array<i32>} : memref<80x128xf32, #tpu.memory_space<vmem>>, vector<1x16xf32>,
      %swap3A_75 = arith.index_cast %scan3A_40 : i32 to index
      %swap3A_76 = arith.constant 112 : index
      %swap3A_77 = tpu.vector_load %arg10[%swap3A_75, %swap3A_76] {strides = array<i32>} : memref<80x128xf32, #tpu.memory_space<vmem>>, vector<1x16xf32>,
      %swap3A_78 = vector.shape_cast %swap3A_77 : vector<1x16xf32> to vector<16xf32>
      %swap3A_79 = vector.shape_cast %broadcast_in_dim3A_1 : vector<16xf32> to vector<1x16xf32>
      tpu.vector_store %arg10[%swap3A_75, %swap3A_76], %swap3A_79 {strides = array<i32>} : memref<80x128xf32, #tpu.memory_space<vmem>>, vector<1x16xf32>,
    }
    %scan3A_6 = arith.constant 80 : i32
    %mul3A_7 = arith.constant 640 : i32
    %mul3A_8 = arith.muli %arg1, %mul3A_7 : i32
    %add3A_9 = arith.constant 0 : i32
    %add3A_10 = arith.addi %mul3A_8, %add3A_9 : i32
    "tpu.region"() ({
      %run_scoped3A = tpu.sem_alloc : memref<!tpu.dma_semaphore, #tpu.memory_space<semaphore_mem>>
      %dma_start3A_40 = arith.constant 0 : i32
      %dma_start3A_41 = tpu.memref_slice %arg12[%add3A_10, %dma_start3A_40] : memref<10240x128xf32, #tpu.memory_space<vmem_shared>> -> memref<80x128xf32, #tpu.memory_space<vmem_shared>>
      %dma_start3A_42 = arith.constant 0 : i32
      %dma_start3A_43 = tpu.memref_slice %arg12[%add3A_10, %dma_start3A_42] : memref<10240x128xf32, #tpu.memory_space<vmem_shared>> -> memref<80x128xf32, #tpu.memory_space<vmem_shared>>
      tpu.enqueue_dma source(%arg10 : memref<80x128xf32, #tpu.memory_space<vmem>>) target(%dma_start3A_43 : memref<80x128xf32, #tpu.memory_space<vmem_shared>>) target_semaphore(%run_scoped3A : memref<!tpu.dma_semaphore, #tpu.memory_space<semaphore_mem>>)
      %dma_wait3A_44 = arith.constant 0 : i32
      %dma_wait3A_45 = tpu.memref_slice %arg12[%add3A_10, %dma_wait3A_44] : memref<10240x128xf32, #tpu.memory_space<vmem_shared>> -> memref<80x128xf32, #tpu.memory_space<vmem_shared>>
      %dma_wait3A_46 = arith.constant 0 : i32
      %dma_wait3A_47 = tpu.memref_slice %arg12[%add3A_10, %dma_wait3A_46] : memref<10240x128xf32, #tpu.memory_space<vmem_shared>> -> memref<80x128xf32, #tpu.memory_space<vmem_shared>>
      tpu.wait_dma2 semaphore(%run_scoped3A : memref<!tpu.dma_semaphore, #tpu.memory_space<semaphore_mem>>) src(%arg10 : memref<80x128xf32, #tpu.memory_space<vmem>>) dst(%dma_wait3A_47 : memref<80x128xf32, #tpu.memory_space<vmem_shared>>)
      tpu.yield
    }) : () -> ()
    %add3A_11 = arith.constant 80 : i32
    %add3A_12 = arith.addi %mul3A_8, %add3A_11 : i32
    "tpu.region"() ({
      %run_scoped3A = tpu.sem_alloc : memref<!tpu.dma_semaphore, #tpu.memory_space<semaphore_mem>>
      %dma_start3A_40 = arith.constant 0 : i32
      %dma_start3A_41 = tpu.memref_slice %arg12[%add3A_12, %dma_start3A_40] : memref<10240x128xf32, #tpu.memory_space<vmem_shared>> -> memref<80x128xf32, #tpu.memory_space<vmem_shared>>
      %dma_start3A_42 = arith.constant 0 : i32
      %dma_start3A_43 = tpu.memref_slice %arg12[%add3A_12, %dma_start3A_42] : memref<10240x128xf32, #tpu.memory_space<vmem_shared>> -> memref<80x128xf32, #tpu.memory_space<vmem_shared>>
      tpu.enqueue_dma source(%arg10 : memref<80x128xf32, #tpu.memory_space<vmem>>) target(%dma_start3A_43 : memref<80x128xf32, #tpu.memory_space<vmem_shared>>) target_semaphore(%run_scoped3A : memref<!tpu.dma_semaphore, #tpu.memory_space<semaphore_mem>>)
      %dma_wait3A_44 = arith.constant 0 : i32
      %dma_wait3A_45 = tpu.memref_slice %arg12[%add3A_12, %dma_wait3A_44] : memref<10240x128xf32, #tpu.memory_space<vmem_shared>> -> memref<80x128xf32, #tpu.memory_space<vmem_shared>>
      %dma_wait3A_46 = arith.constant 0 : i32
      %dma_wait3A_47 = tpu.memref_slice %arg12[%add3A_12, %dma_wait3A_46] : memref<10240x128xf32, #tpu.memory_space<vmem_shared>> -> memref<80x128xf32, #tpu.memory_space<vmem_shared>>
      tpu.wait_dma2 semaphore(%run_scoped3A : memref<!tpu.dma_semaphore, #tpu.memory_space<semaphore_mem>>) src(%arg10 : memref<80x128xf32, #tpu.memory_space<vmem>>) dst(%dma_wait3A_47 : memref<80x128xf32, #tpu.memory_space<vmem_shared>>)
      tpu.yield
    }) : () -> ()
    %add3A_13 = arith.constant 160 : i32
    %add3A_14 = arith.addi %mul3A_8, %add3A_13 : i32
    "tpu.region"() ({
      %run_scoped3A = tpu.sem_alloc : memref<!tpu.dma_semaphore, #tpu.memory_space<semaphore_mem>>
      %dma_start3A_40 = arith.constant 0 : i32
      %dma_start3A_41 = tpu.memref_slice %arg12[%add3A_14, %dma_start3A_40] : memref<10240x128xf32, #tpu.memory_space<vmem_shared>> -> memref<80x128xf32, #tpu.memory_space<vmem_shared>>
      %dma_start3A_42 = arith.constant 0 : i32
      %dma_start3A_43 = tpu.memref_slice %arg12[%add3A_14, %dma_start3A_42] : memref<10240x128xf32, #tpu.memory_space<vmem_shared>> -> memref<80x128xf32, #tpu.memory_space<vmem_shared>>
      tpu.enqueue_dma source(%arg10 : memref<80x128xf32, #tpu.memory_space<vmem>>) target(%dma_start3A_43 : memref<80x128xf32, #tpu.memory_space<vmem_shared>>) target_semaphore(%run_scoped3A : memref<!tpu.dma_semaphore, #tpu.memory_space<semaphore_mem>>)
      %dma_wait3A_44 = arith.constant 0 : i32
      %dma_wait3A_45 = tpu.memref_slice %arg12[%add3A_14, %dma_wait3A_44] : memref<10240x128xf32, #tpu.memory_space<vmem_shared>> -> memref<80x128xf32, #tpu.memory_space<vmem_shared>>
      %dma_wait3A_46 = arith.constant 0 : i32
      %dma_wait3A_47 = tpu.memref_slice %arg12[%add3A_14, %dma_wait3A_46] : memref<10240x128xf32, #tpu.memory_space<vmem_shared>> -> memref<80x128xf32, #tpu.memory_space<vmem_shared>>
      tpu.wait_dma2 semaphore(%run_scoped3A : memref<!tpu.dma_semaphore, #tpu.memory_space<semaphore_mem>>) src(%arg10 : memref<80x128xf32, #tpu.memory_space<vmem>>) dst(%dma_wait3A_47 : memref<80x128xf32, #tpu.memory_space<vmem_shared>>)
      tpu.yield
    }) : () -> ()
    %add3A_15 = arith.constant 240 : i32
    %add3A_16 = arith.addi %mul3A_8, %add3A_15 : i32
    "tpu.region"() ({
      %run_scoped3A = tpu.sem_alloc : memref<!tpu.dma_semaphore, #tpu.memory_space<semaphore_mem>>
      %dma_start3A_40 = arith.constant 0 : i32
      %dma_start3A_41 = tpu.memref_slice %arg12[%add3A_16, %dma_start3A_40] : memref<10240x128xf32, #tpu.memory_space<vmem_shared>> -> memref<80x128xf32, #tpu.memory_space<vmem_shared>>
      %dma_start3A_42 = arith.constant 0 : i32
      %dma_start3A_43 = tpu.memref_slice %arg12[%add3A_16, %dma_start3A_42] : memref<10240x128xf32, #tpu.memory_space<vmem_shared>> -> memref<80x128xf32, #tpu.memory_space<vmem_shared>>
      tpu.enqueue_dma source(%arg10 : memref<80x128xf32, #tpu.memory_space<vmem>>) target(%dma_start3A_43 : memref<80x128xf32, #tpu.memory_space<vmem_shared>>) target_semaphore(%run_scoped3A : memref<!tpu.dma_semaphore, #tpu.memory_space<semaphore_mem>>)
      %dma_wait3A_44 = arith.constant 0 : i32
      %dma_wait3A_45 = tpu.memref_slice %arg12[%add3A_16, %dma_wait3A_44] : memref<10240x128xf32, #tpu.memory_space<vmem_shared>> -> memref<80x128xf32, #tpu.memory_space<vmem_shared>>
      %dma_wait3A_46 = arith.constant 0 : i32
      %dma_wait3A_47 = tpu.memref_slice %arg12[%add3A_16, %dma_wait3A_46] : memref<10240x128xf32, #tpu.memory_space<vmem_shared>> -> memref<80x128xf32, #tpu.memory_space<vmem_shared>>
      tpu.wait_dma2 semaphore(%run_scoped3A : memref<!tpu.dma_semaphore, #tpu.memory_space<semaphore_mem>>) src(%arg10 : memref<80x128xf32, #tpu.memory_space<vmem>>) dst(%dma_wait3A_47 : memref<80x128xf32, #tpu.memory_space<vmem_shared>>)
      tpu.yield
    }) : () -> ()
    %add3A_17 = arith.constant 320 : i32
    %add3A_18 = arith.addi %mul3A_8, %add3A_17 : i32
    "tpu.region"() ({
      %run_scoped3A = tpu.sem_alloc : memref<!tpu.dma_semaphore, #tpu.memory_space<semaphore_mem>>
      %dma_start3A_40 = arith.constant 0 : i32
      %dma_start3A_41 = tpu.memref_slice %arg12[%add3A_18, %dma_start3A_40] : memref<10240x128xf32, #tpu.memory_space<vmem_shared>> -> memref<80x128xf32, #tpu.memory_space<vmem_shared>>
      %dma_start3A_42 = arith.constant 0 : i32
      %dma_start3A_43 = tpu.memref_slice %arg12[%add3A_18, %dma_start3A_42] : memref<10240x128xf32, #tpu.memory_space<vmem_shared>> -> memref<80x128xf32, #tpu.memory_space<vmem_shared>>
      tpu.enqueue_dma source(%arg10 : memref<80x128xf32, #tpu.memory_space<vmem>>) target(%dma_start3A_43 : memref<80x128xf32, #tpu.memory_space<vmem_shared>>) target_semaphore(%run_scoped3A : memref<!tpu.dma_semaphore, #tpu.memory_space<semaphore_mem>>)
      %dma_wait3A_44 = arith.constant 0 : i32
      %dma_wait3A_45 = tpu.memref_slice %arg12[%add3A_18, %dma_wait3A_44] : memref<10240x128xf32, #tpu.memory_space<vmem_shared>> -> memref<80x128xf32, #tpu.memory_space<vmem_shared>>
      %dma_wait3A_46 = arith.constant 0 : i32
      %dma_wait3A_47 = tpu.memref_slice %arg12[%add3A_18, %dma_wait3A_46] : memref<10240x128xf32, #tpu.memory_space<vmem_shared>> -> memref<80x128xf32, #tpu.memory_space<vmem_shared>>
      tpu.wait_dma2 semaphore(%run_scoped3A : memref<!tpu.dma_semaphore, #tpu.memory_space<semaphore_mem>>) src(%arg10 : memref<80x128xf32, #tpu.memory_space<vmem>>) dst(%dma_wait3A_47 : memref<80x128xf32, #tpu.memory_space<vmem_shared>>)
      tpu.yield
    }) : () -> ()
    %add3A_19 = arith.constant 400 : i32
    %add3A_20 = arith.addi %mul3A_8, %add3A_19 : i32
    "tpu.region"() ({
      %run_scoped3A = tpu.sem_alloc : memref<!tpu.dma_semaphore, #tpu.memory_space<semaphore_mem>>
      %dma_start3A_40 = arith.constant 0 : i32
      %dma_start3A_41 = tpu.memref_slice %arg12[%add3A_20, %dma_start3A_40] : memref<10240x128xf32, #tpu.memory_space<vmem_shared>> -> memref<80x128xf32, #tpu.memory_space<vmem_shared>>
      %dma_start3A_42 = arith.constant 0 : i32
      %dma_start3A_43 = tpu.memref_slice %arg12[%add3A_20, %dma_start3A_42] : memref<10240x128xf32, #tpu.memory_space<vmem_shared>> -> memref<80x128xf32, #tpu.memory_space<vmem_shared>>
      tpu.enqueue_dma source(%arg10 : memref<80x128xf32, #tpu.memory_space<vmem>>) target(%dma_start3A_43 : memref<80x128xf32, #tpu.memory_space<vmem_shared>>) target_semaphore(%run_scoped3A : memref<!tpu.dma_semaphore, #tpu.memory_space<semaphore_mem>>)
      %dma_wait3A_44 = arith.constant 0 : i32
      %dma_wait3A_45 = tpu.memref_slice %arg12[%add3A_20, %dma_wait3A_44] : memref<10240x128xf32, #tpu.memory_space<vmem_shared>> -> memref<80x128xf32, #tpu.memory_space<vmem_shared>>
      %dma_wait3A_46 = arith.constant 0 : i32
      %dma_wait3A_47 = tpu.memref_slice %arg12[%add3A_20, %dma_wait3A_46] : memref<10240x128xf32, #tpu.memory_space<vmem_shared>> -> memref<80x128xf32, #tpu.memory_space<vmem_shared>>
      tpu.wait_dma2 semaphore(%run_scoped3A : memref<!tpu.dma_semaphore, #tpu.memory_space<semaphore_mem>>) src(%arg10 : memref<80x128xf32, #tpu.memory_space<vmem>>) dst(%dma_wait3A_47 : memref<80x128xf32, #tpu.memory_space<vmem_shared>>)
      tpu.yield
    }) : () -> ()
    %add3A_21 = arith.constant 480 : i32
    %add3A_22 = arith.addi %mul3A_8, %add3A_21 : i32
    "tpu.region"() ({
      %run_scoped3A = tpu.sem_alloc : memref<!tpu.dma_semaphore, #tpu.memory_space<semaphore_mem>>
      %dma_start3A_40 = arith.constant 0 : i32
      %dma_start3A_41 = tpu.memref_slice %arg12[%add3A_22, %dma_start3A_40] : memref<10240x128xf32, #tpu.memory_space<vmem_shared>> -> memref<80x128xf32, #tpu.memory_space<vmem_shared>>
      %dma_start3A_42 = arith.constant 0 : i32
      %dma_start3A_43 = tpu.memref_slice %arg12[%add3A_22, %dma_start3A_42] : memref<10240x128xf32, #tpu.memory_space<vmem_shared>> -> memref<80x128xf32, #tpu.memory_space<vmem_shared>>
      tpu.enqueue_dma source(%arg10 : memref<80x128xf32, #tpu.memory_space<vmem>>) target(%dma_start3A_43 : memref<80x128xf32, #tpu.memory_space<vmem_shared>>) target_semaphore(%run_scoped3A : memref<!tpu.dma_semaphore, #tpu.memory_space<semaphore_mem>>)
      %dma_wait3A_44 = arith.constant 0 : i32
      %dma_wait3A_45 = tpu.memref_slice %arg12[%add3A_22, %dma_wait3A_44] : memref<10240x128xf32, #tpu.memory_space<vmem_shared>> -> memref<80x128xf32, #tpu.memory_space<vmem_shared>>
      %dma_wait3A_46 = arith.constant 0 : i32
      %dma_wait3A_47 = tpu.memref_slice %arg12[%add3A_22, %dma_wait3A_46] : memref<10240x128xf32, #tpu.memory_space<vmem_shared>> -> memref<80x128xf32, #tpu.memory_space<vmem_shared>>
      tpu.wait_dma2 semaphore(%run_scoped3A : memref<!tpu.dma_semaphore, #tpu.memory_space<semaphore_mem>>) src(%arg10 : memref<80x128xf32, #tpu.memory_space<vmem>>) dst(%dma_wait3A_47 : memref<80x128xf32, #tpu.memory_space<vmem_shared>>)
      tpu.yield
    }) : () -> ()
    %add3A_23 = arith.constant 560 : i32
    %add3A_24 = arith.addi %mul3A_8, %add3A_23 : i32
    "tpu.region"() ({
      %run_scoped3A = tpu.sem_alloc : memref<!tpu.dma_semaphore, #tpu.memory_space<semaphore_mem>>
      %dma_start3A_40 = arith.constant 0 : i32
      %dma_start3A_41 = tpu.memref_slice %arg12[%add3A_24, %dma_start3A_40] : memref<10240x128xf32, #tpu.memory_space<vmem_shared>> -> memref<80x128xf32, #tpu.memory_space<vmem_shared>>
      %dma_start3A_42 = arith.constant 0 : i32
      %dma_start3A_43 = tpu.memref_slice %arg12[%add3A_24, %dma_start3A_42] : memref<10240x128xf32, #tpu.memory_space<vmem_shared>> -> memref<80x128xf32, #tpu.memory_space<vmem_shared>>
      tpu.enqueue_dma source(%arg10 : memref<80x128xf32, #tpu.memory_space<vmem>>) target(%dma_start3A_43 : memref<80x128xf32, #tpu.memory_space<vmem_shared>>) target_semaphore(%run_scoped3A : memref<!tpu.dma_semaphore, #tpu.memory_space<semaphore_mem>>)
      %dma_wait3A_44 = arith.constant 0 : i32
      %dma_wait3A_45 = tpu.memref_slice %arg12[%add3A_24, %dma_wait3A_44] : memref<10240x128xf32, #tpu.memory_space<vmem_shared>> -> memref<80x128xf32, #tpu.memory_space<vmem_shared>>
      %dma_wait3A_46 = arith.constant 0 : i32
      %dma_wait3A_47 = tpu.memref_slice %arg12[%add3A_24, %dma_wait3A_46] : memref<10240x128xf32, #tpu.memory_space<vmem_shared>> -> memref<80x128xf32, #tpu.memory_space<vmem_shared>>
      tpu.wait_dma2 semaphore(%run_scoped3A : memref<!tpu.dma_semaphore, #tpu.memory_space<semaphore_mem>>) src(%arg10 : memref<80x128xf32, #tpu.memory_space<vmem>>) dst(%dma_wait3A_47 : memref<80x128xf32, #tpu.memory_space<vmem_shared>>)
      tpu.yield
    }) : () -> ()
    %barrier3A = arith.constant 0 : index
    tpu.barrier barrier_id(%barrier3A)
    %mul3A_25 = arith.constant 10000 : i32
    %mul3A_26 = arith.muli %add3A, %mul3A_25 : i32
    %add3A_27 = arith.constant 0 : i32
    %add3A_28 = arith.addi %mul3A_26, %add3A_27 : i32
    "tpu.region"() ({
      %run_scoped3A = tpu.sem_alloc : memref<!tpu.dma_semaphore, #tpu.memory_space<semaphore_mem>>
      %dma_start3A_40 = tpu.memref_slice %arg3[%add3A_28] : memref<320000xi32, #tpu.memory_space<hbm>> -> memref<80xi32, #tpu.memory_space<hbm>>
      %dma_start3A_41 = tpu.memref_slice %arg3[%add3A_28] : memref<320000xi32, #tpu.memory_space<hbm>> -> memref<80xi32, #tpu.memory_space<hbm>>
      tpu.enqueue_dma source(%dma_start3A_41 : memref<80xi32, #tpu.memory_space<hbm>>) target(%arg6 : memref<80xi32, #tpu.memory_space<vmem>>) target_semaphore(%run_scoped3A : memref<!tpu.dma_semaphore, #tpu.memory_space<semaphore_mem>>)
      %dma_wait3A_42 = tpu.memref_slice %arg3[%add3A_28] : memref<320000xi32, #tpu.memory_space<hbm>> -> memref<80xi32, #tpu.memory_space<hbm>>
      %dma_wait3A_43 = tpu.memref_slice %arg3[%add3A_28] : memref<320000xi32, #tpu.memory_space<hbm>> -> memref<80xi32, #tpu.memory_space<hbm>>
      tpu.wait_dma2 semaphore(%run_scoped3A : memref<!tpu.dma_semaphore, #tpu.memory_space<semaphore_mem>>) src(%dma_wait3A_43 : memref<80xi32, #tpu.memory_space<hbm>>) dst(%arg6 : memref<80xi32, #tpu.memory_space<vmem>>)
      tpu.yield
    }) : () -> ()
    "tpu.region"() ({
      %run_scoped3A = tpu.sem_alloc : memref<!tpu.dma_semaphore, #tpu.memory_space<semaphore_mem>>
      %dma_start3A_40 = tpu.memref_slice %arg4[%add3A_28] : memref<320000xi32, #tpu.memory_space<hbm>> -> memref<80xi32, #tpu.memory_space<hbm>>
      %dma_start3A_41 = tpu.memref_slice %arg4[%add3A_28] : memref<320000xi32, #tpu.memory_space<hbm>> -> memref<80xi32, #tpu.memory_space<hbm>>
      tpu.enqueue_dma source(%dma_start3A_41 : memref<80xi32, #tpu.memory_space<hbm>>) target(%arg8 : memref<80xi32, #tpu.memory_space<vmem>>) target_semaphore(%run_scoped3A : memref<!tpu.dma_semaphore, #tpu.memory_space<semaphore_mem>>)
      %dma_wait3A_42 = tpu.memref_slice %arg4[%add3A_28] : memref<320000xi32, #tpu.memory_space<hbm>> -> memref<80xi32, #tpu.memory_space<hbm>>
      %dma_wait3A_43 = tpu.memref_slice %arg4[%add3A_28] : memref<320000xi32, #tpu.memory_space<hbm>> -> memref<80xi32, #tpu.memory_space<hbm>>
      tpu.wait_dma2 semaphore(%run_scoped3A : memref<!tpu.dma_semaphore, #tpu.memory_space<semaphore_mem>>) src(%dma_wait3A_43 : memref<80xi32, #tpu.memory_space<hbm>>) dst(%arg8 : memref<80xi32, #tpu.memory_space<vmem>>)
      tpu.yield
    }) : () -> ()
    %dma_start3A = arith.constant 0 : i32
    %dma_start3A_29 = arith.constant 0 : i32
    %dma_start3A_30 = tpu.memref_slice %arg2[%dma_start3A, %dma_start3A_29] : memref<10000x128xf32, #tpu.memory_space<hbm>> -> memref<10000x128xf32, #tpu.memory_space<hbm>>
    tpu.enqueue_indirect_dma source(%dma_start3A_30 : memref<10000x128xf32, #tpu.memory_space<hbm>>) target(%arg10 : memref<80x128xf32, #tpu.memory_space<vmem>>) offsets(%arg6 : memref<80xi32, #tpu.memory_space<vmem>>) semaphore(%arg13 : memref<!tpu.dma_semaphore, #tpu.memory_space<semaphore_mem>>)
    %scan3A_31 = arith.constant 0 : i32
    %scan3A_32 = arith.constant 0 : i32
    %scan3A_33 = arith.constant 62 : i32
    %scan3A_34 = arith.addi %scan3A_32, %scan3A_33 : i32
    %scan3A_35 = arith.constant 1 : i32
    scf.for %scan3A_40 = %scan3A_32 to %scan3A_34 step %scan3A_35  : i32 {
      %mul3A_41 = arith.constant 2 : i32
      %mul3A_42 = arith.muli %mul3A_41, %scan3A_40 : i32
      %add3A_43 = arith.constant 1 : i32
      %add3A_44 = arith.addi %mul3A_42, %add3A_43 : i32
      %mul3A_45 = arith.constant 80 : i32
      %mul3A_46 = arith.muli %add3A_44, %mul3A_45 : i32
      %add3A_47 = arith.addi %mul3A_26, %mul3A_46 : i32
      "tpu.region"() ({
        %run_scoped3A = tpu.sem_alloc : memref<!tpu.dma_semaphore, #tpu.memory_space<semaphore_mem>>
        %dma_start3A_65 = tpu.memref_slice %arg3[%add3A_47] : memref<320000xi32, #tpu.memory_space<hbm>> -> memref<80xi32, #tpu.memory_space<hbm>>
        %dma_start3A_66 = tpu.memref_slice %arg3[%add3A_47] : memref<320000xi32, #tpu.memory_space<hbm>> -> memref<80xi32, #tpu.memory_space<hbm>>
        tpu.enqueue_dma source(%dma_start3A_66 : memref<80xi32, #tpu.memory_space<hbm>>) target(%arg7 : memref<80xi32, #tpu.memory_space<vmem>>) target_semaphore(%run_scoped3A : memref<!tpu.dma_semaphore, #tpu.memory_space<semaphore_mem>>)
        %dma_wait3A_67 = tpu.memref_slice %arg3[%add3A_47] : memref<320000xi32, #tpu.memory_space<hbm>> -> memref<80xi32, #tpu.memory_space<hbm>>
        %dma_wait3A_68 = tpu.memref_slice %arg3[%add3A_47] : memref<320000xi32, #tpu.memory_space<hbm>> -> memref<80xi32, #tpu.memory_space<hbm>>
        tpu.wait_dma2 semaphore(%run_scoped3A : memref<!tpu.dma_semaphore, #tpu.memory_space<semaphore_mem>>) src(%dma_wait3A_68 : memref<80xi32, #tpu.memory_space<hbm>>) dst(%arg7 : memref<80xi32, #tpu.memory_space<vmem>>)
        tpu.yield
      }) : () -> ()
      "tpu.region"() ({
        %run_scoped3A = tpu.sem_alloc : memref<!tpu.dma_semaphore, #tpu.memory_space<semaphore_mem>>
        %dma_start3A_65 = tpu.memref_slice %arg4[%add3A_47] : memref<320000xi32, #tpu.memory_space<hbm>> -> memref<80xi32, #tpu.memory_space<hbm>>
        %dma_start3A_66 = tpu.memref_slice %arg4[%add3A_47] : memref<320000xi32, #tpu.memory_space<hbm>> -> memref<80xi32, #tpu.memory_space<hbm>>
        tpu.enqueue_dma source(%dma_start3A_66 : memref<80xi32, #tpu.memory_space<hbm>>) target(%arg9 : memref<80xi32, #tpu.memory_space<vmem>>) target_semaphore(%run_scoped3A : memref<!tpu.dma_semaphore, #tpu.memory_space<semaphore_mem>>)
        %dma_wait3A_67 = tpu.memref_slice %arg4[%add3A_47] : memref<320000xi32, #tpu.memory_space<hbm>> -> memref<80xi32, #tpu.memory_space<hbm>>
        %dma_wait3A_68 = tpu.memref_slice %arg4[%add3A_47] : memref<320000xi32, #tpu.memory_space<hbm>> -> memref<80xi32, #tpu.memory_space<hbm>>
        tpu.wait_dma2 semaphore(%run_scoped3A : memref<!tpu.dma_semaphore, #tpu.memory_space<semaphore_mem>>) src(%dma_wait3A_68 : memref<80xi32, #tpu.memory_space<hbm>>) dst(%arg9 : memref<80xi32, #tpu.memory_space<vmem>>)
        tpu.yield
      }) : () -> ()
      %dma_start3A_48 = arith.constant 0 : i32
      %dma_start3A_49 = arith.constant 0 : i32
      %dma_start3A_50 = tpu.memref_slice %arg2[%dma_start3A_48, %dma_start3A_49] : memref<10000x128xf32, #tpu.memory_space<hbm>> -> memref<10000x128xf32, #tpu.memory_space<hbm>>
      tpu.enqueue_indirect_dma source(%dma_start3A_50 : memref<10000x128xf32, #tpu.memory_space<hbm>>) target(%arg11 : memref<80x128xf32, #tpu.memory_space<vmem>>) offsets(%arg7 : memref<80xi32, #tpu.memory_space<vmem>>) semaphore(%arg14 : memref<!tpu.dma_semaphore, #tpu.memory_space<semaphore_mem>>)
      %dma_wait3A_51 = arith.constant 0 : i32
      %dma_wait3A_52 = arith.constant 0 : i32
      %dma_wait3A_53 = tpu.memref_slice %arg2[%dma_wait3A_51, %dma_wait3A_52] : memref<10000x128xf32, #tpu.memory_space<hbm>> -> memref<10000x128xf32, #tpu.memory_space<hbm>>
      tpu.wait_indirect_dma semaphore(%arg13 : memref<!tpu.dma_semaphore, #tpu.memory_space<semaphore_mem>>) src(%dma_wait3A_53 : memref<10000x128xf32, #tpu.memory_space<hbm>>) dst(%arg10 : memref<80x128xf32, #tpu.memory_space<vmem>>)
      "tpu.region"() ({
        %run_scoped3A = tpu.sem_alloc : memref<!tpu.dma_semaphore, #tpu.memory_space<semaphore_mem>>
        %dma_start3A_65 = arith.constant 0 : i32
        %dma_start3A_66 = arith.constant 0 : i32
        %dma_start3A_67 = tpu.memref_slice %arg12[%dma_start3A_65, %dma_start3A_66] : memref<10240x128xf32, #tpu.memory_space<vmem_shared>> -> memref<10240x128xf32, #tpu.memory_space<vmem_shared>>
        tpu.enqueue_indirect_dma source(%arg10 : memref<80x128xf32, #tpu.memory_space<vmem>>) target(%dma_start3A_67 : memref<10240x128xf32, #tpu.memory_space<vmem_shared>>) offsets(%arg8 : memref<80xi32, #tpu.memory_space<vmem>>) semaphore(%run_scoped3A : memref<!tpu.dma_semaphore, #tpu.memory_space<semaphore_mem>>) {add = true}
        %dma_wait3A_68 = arith.constant 0 : i32
        %dma_wait3A_69 = arith.constant 0 : i32
        %dma_wait3A_70 = tpu.memref_slice %arg12[%dma_wait3A_68, %dma_wait3A_69] : memref<10240x128xf32, #tpu.memory_space<vmem_shared>> -> memref<10240x128xf32, #tpu.memory_space<vmem_shared>>
        tpu.wait_indirect_dma semaphore(%run_scoped3A : memref<!tpu.dma_semaphore, #tpu.memory_space<semaphore_mem>>) src(%arg10 : memref<80x128xf32, #tpu.memory_space<vmem>>) dst(%dma_wait3A_70 : memref<10240x128xf32, #tpu.memory_space<vmem_shared>>)
        tpu.yield
      }) : () -> ()
      %add3A_54 = arith.constant 2 : i32
      %add3A_55 = arith.addi %mul3A_42, %add3A_54 : i32
      %mul3A_56 = arith.constant 80 : i32
      %mul3A_57 = arith.muli %add3A_55, %mul3A_56 : i32
      %add3A_58 = arith.addi %mul3A_26, %mul3A_57 : i32
      "tpu.region"() ({
        %run_scoped3A = tpu.sem_alloc : memref<!tpu.dma_semaphore, #tpu.memory_space<semaphore_mem>>
        %dma_start3A_65 = tpu.memref_slice %arg3[%add3A_58] : memref<320000xi32, #tpu.memory_space<hbm>> -> memref<80xi32, #tpu.memory_space<hbm>>
        %dma_start3A_66 = tpu.memref_slice %arg3[%add3A_58] : memref<320000xi32, #tpu.memory_space<hbm>> -> memref<80xi32, #tpu.memory_space<hbm>>
        tpu.enqueue_dma source(%dma_start3A_66 : memref<80xi32, #tpu.memory_space<hbm>>) target(%arg6 : memref<80xi32, #tpu.memory_space<vmem>>) target_semaphore(%run_scoped3A : memref<!tpu.dma_semaphore, #tpu.memory_space<semaphore_mem>>)
        %dma_wait3A_67 = tpu.memref_slice %arg3[%add3A_58] : memref<320000xi32, #tpu.memory_space<hbm>> -> memref<80xi32, #tpu.memory_space<hbm>>
        %dma_wait3A_68 = tpu.memref_slice %arg3[%add3A_58] : memref<320000xi32, #tpu.memory_space<hbm>> -> memref<80xi32, #tpu.memory_space<hbm>>
        tpu.wait_dma2 semaphore(%run_scoped3A : memref<!tpu.dma_semaphore, #tpu.memory_space<semaphore_mem>>) src(%dma_wait3A_68 : memref<80xi32, #tpu.memory_space<hbm>>) dst(%arg6 : memref<80xi32, #tpu.memory_space<vmem>>)
        tpu.yield
      }) : () -> ()
      "tpu.region"() ({
        %run_scoped3A = tpu.sem_alloc : memref<!tpu.dma_semaphore, #tpu.memory_space<semaphore_mem>>
        %dma_start3A_65 = tpu.memref_slice %arg4[%add3A_58] : memref<320000xi32, #tpu.memory_space<hbm>> -> memref<80xi32, #tpu.memory_space<hbm>>
        %dma_start3A_66 = tpu.memref_slice %arg4[%add3A_58] : memref<320000xi32, #tpu.memory_space<hbm>> -> memref<80xi32, #tpu.memory_space<hbm>>
        tpu.enqueue_dma source(%dma_start3A_66 : memref<80xi32, #tpu.memory_space<hbm>>) target(%arg8 : memref<80xi32, #tpu.memory_space<vmem>>) target_semaphore(%run_scoped3A : memref<!tpu.dma_semaphore, #tpu.memory_space<semaphore_mem>>)
        %dma_wait3A_67 = tpu.memref_slice %arg4[%add3A_58] : memref<320000xi32, #tpu.memory_space<hbm>> -> memref<80xi32, #tpu.memory_space<hbm>>
        %dma_wait3A_68 = tpu.memref_slice %arg4[%add3A_58] : memref<320000xi32, #tpu.memory_space<hbm>> -> memref<80xi32, #tpu.memory_space<hbm>>
        tpu.wait_dma2 semaphore(%run_scoped3A : memref<!tpu.dma_semaphore, #tpu.memory_space<semaphore_mem>>) src(%dma_wait3A_68 : memref<80xi32, #tpu.memory_space<hbm>>) dst(%arg8 : memref<80xi32, #tpu.memory_space<vmem>>)
        tpu.yield
      }) : () -> ()
      %dma_start3A_59 = arith.constant 0 : i32
      %dma_start3A_60 = arith.constant 0 : i32
      %dma_start3A_61 = tpu.memref_slice %arg2[%dma_start3A_59, %dma_start3A_60] : memref<10000x128xf32, #tpu.memory_space<hbm>> -> memref<10000x128xf32, #tpu.memory_space<hbm>>
      tpu.enqueue_indirect_dma source(%dma_start3A_61 : memref<10000x128xf32, #tpu.memory_space<hbm>>) target(%arg10 : memref<80x128xf32, #tpu.memory_space<vmem>>) offsets(%arg6 : memref<80xi32, #tpu.memory_space<vmem>>) semaphore(%arg13 : memref<!tpu.dma_semaphore, #tpu.memory_space<semaphore_mem>>)
      %dma_wait3A_62 = arith.constant 0 : i32
      %dma_wait3A_63 = arith.constant 0 : i32
      %dma_wait3A_64 = tpu.memref_slice %arg2[%dma_wait3A_62, %dma_wait3A_63] : memref<10000x128xf32, #tpu.memory_space<hbm>> -> memref<10000x128xf32, #tpu.memory_space<hbm>>
      tpu.wait_indirect_dma semaphore(%arg14 : memref<!tpu.dma_semaphore, #tpu.memory_space<semaphore_mem>>) src(%dma_wait3A_64 : memref<10000x128xf32, #tpu.memory_space<hbm>>) dst(%arg11 : memref<80x128xf32, #tpu.memory_space<vmem>>)
      "tpu.region"() ({
        %run_scoped3A = tpu.sem_alloc : memref<!tpu.dma_semaphore, #tpu.memory_space<semaphore_mem>>
        %dma_start3A_65 = arith.constant 0 : i32
        %dma_start3A_66 = arith.constant 0 : i32
        %dma_start3A_67 = tpu.memref_slice %arg12[%dma_start3A_65, %dma_start3A_66] : memref<10240x128xf32, #tpu.memory_space<vmem_shared>> -> memref<10240x128xf32, #tpu.memory_space<vmem_shared>>
        tpu.enqueue_indirect_dma source(%arg11 : memref<80x128xf32, #tpu.memory_space<vmem>>) target(%dma_start3A_67 : memref<10240x128xf32, #tpu.memory_space<vmem_shared>>) offsets(%arg9 : memref<80xi32, #tpu.memory_space<vmem>>) semaphore(%run_scoped3A : memref<!tpu.dma_semaphore, #tpu.memory_space<semaphore_mem>>) {add = true}
        %dma_wait3A_68 = arith.constant 0 : i32
        %dma_wait3A_69 = arith.constant 0 : i32
        %dma_wait3A_70 = tpu.memref_slice %arg12[%dma_wait3A_68, %dma_wait3A_69] : memref<10240x128xf32, #tpu.memory_space<vmem_shared>> -> memref<10240x128xf32, #tpu.memory_space<vmem_shared>>
        tpu.wait_indirect_dma semaphore(%run_scoped3A : memref<!tpu.dma_semaphore, #tpu.memory_space<semaphore_mem>>) src(%arg11 : memref<80x128xf32, #tpu.memory_space<vmem>>) dst(%dma_wait3A_70 : memref<10240x128xf32, #tpu.memory_space<vmem_shared>>)
        tpu.yield
      }) : () -> ()
    }
    %scan3A_36 = arith.constant 62 : i32
    %dma_wait3A = arith.constant 0 : i32
    %dma_wait3A_37 = arith.constant 0 : i32
    %dma_wait3A_38 = tpu.memref_slice %arg2[%dma_wait3A, %dma_wait3A_37] : memref<10000x128xf32, #tpu.memory_space<hbm>> -> memref<10000x128xf32, #tpu.memory_space<hbm>>
    tpu.wait_indirect_dma semaphore(%arg13 : memref<!tpu.dma_semaphore, #tpu.memory_space<semaphore_mem>>) src(%dma_wait3A_38 : memref<10000x128xf32, #tpu.memory_space<hbm>>) dst(%arg10 : memref<80x128xf32, #tpu.memory_space<vmem>>)
    "tpu.region"() ({
      %run_scoped3A = tpu.sem_alloc : memref<!tpu.dma_semaphore, #tpu.memory_space<semaphore_mem>>
      %dma_start3A_40 = arith.constant 0 : i32
      %dma_start3A_41 = arith.constant 0 : i32
      %dma_start3A_42 = tpu.memref_slice %arg12[%dma_start3A_40, %dma_start3A_41] : memref<10240x128xf32, #tpu.memory_space<vmem_shared>> -> memref<10240x128xf32, #tpu.memory_space<vmem_shared>>
      tpu.enqueue_indirect_dma source(%arg10 : memref<80x128xf32, #tpu.memory_space<vmem>>) target(%dma_start3A_42 : memref<10240x128xf32, #tpu.memory_space<vmem_shared>>) offsets(%arg8 : memref<80xi32, #tpu.memory_space<vmem>>) semaphore(%run_scoped3A : memref<!tpu.dma_semaphore, #tpu.memory_space<semaphore_mem>>) {add = true}
      %dma_wait3A_43 = arith.constant 0 : i32
      %dma_wait3A_44 = arith.constant 0 : i32
      %dma_wait3A_45 = tpu.memref_slice %arg12[%dma_wait3A_43, %dma_wait3A_44] : memref<10240x128xf32, #tpu.memory_space<vmem_shared>> -> memref<10240x128xf32, #tpu.memory_space<vmem_shared>>
      tpu.wait_indirect_dma semaphore(%run_scoped3A : memref<!tpu.dma_semaphore, #tpu.memory_space<semaphore_mem>>) src(%arg10 : memref<80x128xf32, #tpu.memory_space<vmem>>) dst(%dma_wait3A_45 : memref<10240x128xf32, #tpu.memory_space<vmem_shared>>)
      tpu.yield
    }) : () -> ()
    %barrier3A_39 = arith.constant 0 : index
    tpu.barrier barrier_id(%barrier3A_39)
    "tpu.region"() ({
      %run_scoped3A = tpu.sem_alloc : memref<!tpu.dma_semaphore, #tpu.memory_space<semaphore_mem>>
      %dma_start3A_40 = arith.constant 0 : i32
      %dma_start3A_41 = tpu.memref_slice %arg5[%arg0, %mul3A_8, %dma_start3A_40] : memref<2x10240x128xf32, #tpu.memory_space<hbm>> -> memref<1x640x128xf32, #tpu.memory_space<hbm>>
      %dma_start3A_42 = tpu.memref_squeeze %dma_start3A_41 : memref<1x640x128xf32, #tpu.memory_space<hbm>> -> memref<640x128xf32, #tpu.memory_space<hbm>>
      %dma_start3A_43 = arith.constant 0 : i32
      %dma_start3A_44 = tpu.memref_slice %arg12[%mul3A_8, %dma_start3A_43] : memref<10240x128xf32, #tpu.memory_space<vmem_shared>> -> memref<640x128xf32, #tpu.memory_space<vmem_shared>>
      tpu.enqueue_dma source(%dma_start3A_44 : memref<640x128xf32, #tpu.memory_space<vmem_shared>>) target(%dma_start3A_42 : memref<640x128xf32, #tpu.memory_space<hbm>>) target_semaphore(%run_scoped3A : memref<!tpu.dma_semaphore, #tpu.memory_space<semaphore_mem>>)
      %dma_wait3A_45 = arith.constant 0 : i32
      %dma_wait3A_46 = tpu.memref_slice %arg5[%arg0, %mul3A_8, %dma_wait3A_45] : memref<2x10240x128xf32, #tpu.memory_space<hbm>> -> memref<1x640x128xf32, #tpu.memory_space<hbm>>
      %dma_wait3A_47 = tpu.memref_squeeze %dma_wait3A_46 : memref<1x640x128xf32, #tpu.memory_space<hbm>> -> memref<640x128xf32, #tpu.memory_space<hbm>>
      %dma_wait3A_48 = arith.constant 0 : i32
      %dma_wait3A_49 = tpu.memref_slice %arg12[%mul3A_8, %dma_wait3A_48] : memref<10240x128xf32, #tpu.memory_space<vmem_shared>> -> memref<640x128xf32, #tpu.memory_space<vmem_shared>>
      tpu.wait_dma2 semaphore(%run_scoped3A : memref<!tpu.dma_semaphore, #tpu.memory_space<semaphore_mem>>) src(%dma_wait3A_49 : memref<640x128xf32, #tpu.memory_space<vmem_shared>>) dst(%dma_wait3A_47 : memref<640x128xf32, #tpu.memory_space<hbm>>)
      tpu.yield
    }) : () -> ()
    return
  }
}

#map = affine_map<(d0, d1) -> (0, 0)>
#map1 = affine_map<(d0, d1) -> (0)>
#map2 = affine_map<(d0, d1) -> (0, 0, 0)>
module attributes {stable_mosaic.version = 14 : i64} {
  func.func @_agg(%arg0: i32, %arg1: i32, %arg2: memref<10000x128xf32, #tpu.memory_space<hbm>>, %arg3: memref<320000xi32, #tpu.memory_space<hbm>>, %arg4: memref<320000xi32, #tpu.memory_space<hbm>>, %arg5: memref<2x10240x128xf32, #tpu.memory_space<hbm>>, %arg6: memref<80xi32, #tpu.memory_space<vmem>>, %arg7: memref<80xi32, #tpu.memory_space<vmem>>, %arg8: memref<80xi32, #tpu.memory_space<vmem>>, %arg9: memref<80xi32, #tpu.memory_space<vmem>>, %arg10: memref<80x128xf32, #tpu.memory_space<vmem>>, %arg11: memref<80x128xf32, #tpu.memory_space<vmem>>, %arg12: memref<10240x128xf32, #tpu.memory_space<vmem_shared>>, %arg13: memref<!tpu.dma_semaphore, #tpu.memory_space<semaphore_mem>>, %arg14: memref<!tpu.dma_semaphore, #tpu.memory_space<semaphore_mem>>) attributes {dimension_semantics = [#tpu.dimension_semantics<core_parallel>, #tpu.dimension_semantics<subcore_parallel>], iteration_bounds = array<i64: 2, 16>, scalar_prefetch = 0 : i64, scratch_operands = 9 : i64, tpu.core_type = #tpu.core_type<sc_vector_subcore>, window_params = [{transform_indices = #map}, {transform_indices = #map1}, {transform_indices = #map1}, {transform_indices = #map2}]} {
    %mul3A = arith.constant 16 : i32
    %mul3A_0 = arith.muli %arg0, %mul3A : i32
    %add3A = arith.addi %mul3A_0, %arg1 : i32
    %broadcast_in_dim3A = arith.constant 0.000000e+00 : f32
    %broadcast_in_dim3A_1 = vector.broadcast %broadcast_in_dim3A : f32 to vector<16xf32>
    %scan3A = arith.constant 0 : i32
    %scan3A_2 = arith.constant 0 : i32
    %scan3A_3 = arith.constant 80 : i32
    %scan3A_4 = arith.addi %scan3A_2, %scan3A_3 : i32
    %scan3A_5 = arith.constant 1 : i32
    scf.for %scan3A_40 = %scan3A_2 to %scan3A_4 step %scan3A_5  : i32 {
      %swap3A = arith.index_cast %scan3A_40 : i32 to index
      %swap3A_41 = arith.constant 0 : index
      %swap3A_42 = tpu.vector_load %arg10[%swap3A, %swap3A_41] {strides = array<i32>} : memref<80x128xf32, #tpu.memory_space<vmem>>, vector<1x16xf32>,
      %swap3A_43 = vector.shape_cast %swap3A_42 : vector<1x16xf32> to vector<16xf32>
      %swap3A_44 = vector.shape_cast %broadcast_in_dim3A_1 : vector<16xf32> to vector<1x16xf32>
      tpu.vector_store %arg10[%swap3A, %swap3A_41], %swap3A_44 {strides = array<i32>} : memref<80x128xf32, #tpu.memory_space<vmem>>, vector<1x16xf32>,
      %swap3A_45 = arith.index_cast %scan3A_40 : i32 to index
      %swap3A_46 = arith.constant 16 : index
      %swap3A_47 = tpu.vector_load %arg10[%swap3A_45, %swap3A_46] {strides = array<i32>} : memref<80x128xf32, #tpu.memory_space<vmem>>, vector<1x16xf32>,
      %swap3A_48 = vector.shape_cast %swap3A_47 : vector<1x16xf32> to vector<16xf32>
      %swap3A_49 = vector.shape_cast %broadcast_in_dim3A_1 : vector<16xf32> to vector<1x16xf32>
      tpu.vector_store %arg10[%swap3A_45, %swap3A_46], %swap3A_49 {strides = array<i32>} : memref<80x128xf32, #tpu.memory_space<vmem>>, vector<1x16xf32>,
      %swap3A_50 = arith.index_cast %scan3A_40 : i32 to index
      %swap3A_51 = arith.constant 32 : index
      %swap3A_52 = tpu.vector_load %arg10[%swap3A_50, %swap3A_51] {strides = array<i32>} : memref<80x128xf32, #tpu.memory_space<vmem>>, vector<1x16xf32>,
      %swap3A_53 = vector.shape_cast %swap3A_52 : vector<1x16xf32> to vector<16xf32>
      %swap3A_54 = vector.shape_cast %broadcast_in_dim3A_1 : vector<16xf32> to vector<1x16xf32>
      tpu.vector_store %arg10[%swap3A_50, %swap3A_51], %swap3A_54 {strides = array<i32>} : memref<80x128xf32, #tpu.memory_space<vmem>>, vector<1x16xf32>,
      %swap3A_55 = arith.index_cast %scan3A_40 : i32 to index
      %swap3A_56 = arith.constant 48 : index
      %swap3A_57 = tpu.vector_load %arg10[%swap3A_55, %swap3A_56] {strides = array<i32>} : memref<80x128xf32, #tpu.memory_space<vmem>>, vector<1x16xf32>,
      %swap3A_58 = vector.shape_cast %swap3A_57 : vector<1x16xf32> to vector<16xf32>
      %swap3A_59 = vector.shape_cast %broadcast_in_dim3A_1 : vector<16xf32> to vector<1x16xf32>
      tpu.vector_store %arg10[%swap3A_55, %swap3A_56], %swap3A_59 {strides = array<i32>} : memref<80x128xf32, #tpu.memory_space<vmem>>, vector<1x16xf32>,
      %swap3A_60 = arith.index_cast %scan3A_40 : i32 to index
      %swap3A_61 = arith.constant 64 : index
      %swap3A_62 = tpu.vector_load %arg10[%swap3A_60, %swap3A_61] {strides = array<i32>} : memref<80x128xf32, #tpu.memory_space<vmem>>, vector<1x16xf32>,
      %swap3A_63 = vector.shape_cast %swap3A_62 : vector<1x16xf32> to vector<16xf32>
      %swap3A_64 = vector.shape_cast %broadcast_in_dim3A_1 : vector<16xf32> to vector<1x16xf32>
      tpu.vector_store %arg10[%swap3A_60, %swap3A_61], %swap3A_64 {strides = array<i32>} : memref<80x128xf32, #tpu.memory_space<vmem>>, vector<1x16xf32>,
      %swap3A_65 = arith.index_cast %scan3A_40 : i32 to index
      %swap3A_66 = arith.constant 80 : index
      %swap3A_67 = tpu.vector_load %arg10[%swap3A_65, %swap3A_66] {strides = array<i32>} : memref<80x128xf32, #tpu.memory_space<vmem>>, vector<1x16xf32>,
      %swap3A_68 = vector.shape_cast %swap3A_67 : vector<1x16xf32> to vector<16xf32>
      %swap3A_69 = vector.shape_cast %broadcast_in_dim3A_1 : vector<16xf32> to vector<1x16xf32>
      tpu.vector_store %arg10[%swap3A_65, %swap3A_66], %swap3A_69 {strides = array<i32>} : memref<80x128xf32, #tpu.memory_space<vmem>>, vector<1x16xf32>,
      %swap3A_70 = arith.index_cast %scan3A_40 : i32 to index
      %swap3A_71 = arith.constant 96 : index
      %swap3A_72 = tpu.vector_load %arg10[%swap3A_70, %swap3A_71] {strides = array<i32>} : memref<80x128xf32, #tpu.memory_space<vmem>>, vector<1x16xf32>,
      %swap3A_73 = vector.shape_cast %swap3A_72 : vector<1x16xf32> to vector<16xf32>
      %swap3A_74 = vector.shape_cast %broadcast_in_dim3A_1 : vector<16xf32> to vector<1x16xf32>
      tpu.vector_store %arg10[%swap3A_70, %swap3A_71], %swap3A_74 {strides = array<i32>} : memref<80x128xf32, #tpu.memory_space<vmem>>, vector<1x16xf32>,
      %swap3A_75 = arith.index_cast %scan3A_40 : i32 to index
      %swap3A_76 = arith.constant 112 : index
      %swap3A_77 = tpu.vector_load %arg10[%swap3A_75, %swap3A_76] {strides = array<i32>} : memref<80x128xf32, #tpu.memory_space<vmem>>, vector<1x16xf32>,
      %swap3A_78 = vector.shape_cast %swap3A_77 : vector<1x16xf32> to vector<16xf32>
      %swap3A_79 = vector.shape_cast %broadcast_in_dim3A_1 : vector<16xf32> to vector<1x16xf32>
      tpu.vector_store %arg10[%swap3A_75, %swap3A_76], %swap3A_79 {strides = array<i32>} : memref<80x128xf32, #tpu.memory_space<vmem>>, vector<1x16xf32>,
    }
    %scan3A_6 = arith.constant 80 : i32
    %mul3A_7 = arith.constant 640 : i32
    %mul3A_8 = arith.muli %arg1, %mul3A_7 : i32
    %add3A_9 = arith.constant 0 : i32
    %add3A_10 = arith.addi %mul3A_8, %add3A_9 : i32
    "tpu.region"() ({
      %run_scoped3A = tpu.sem_alloc : memref<!tpu.dma_semaphore, #tpu.memory_space<semaphore_mem>>
      %dma_start3A_40 = arith.constant 0 : i32
      %dma_start3A_41 = tpu.memref_slice %arg12[%add3A_10, %dma_start3A_40] : memref<10240x128xf32, #tpu.memory_space<vmem_shared>> -> memref<80x128xf32, #tpu.memory_space<vmem_shared>>
      %dma_start3A_42 = arith.constant 0 : i32
      %dma_start3A_43 = tpu.memref_slice %arg12[%add3A_10, %dma_start3A_42] : memref<10240x128xf32, #tpu.memory_space<vmem_shared>> -> memref<80x128xf32, #tpu.memory_space<vmem_shared>>
      tpu.enqueue_dma source(%arg10 : memref<80x128xf32, #tpu.memory_space<vmem>>) target(%dma_start3A_43 : memref<80x128xf32, #tpu.memory_space<vmem_shared>>) target_semaphore(%run_scoped3A : memref<!tpu.dma_semaphore, #tpu.memory_space<semaphore_mem>>)
      %dma_wait3A_44 = arith.constant 0 : i32
      %dma_wait3A_45 = tpu.memref_slice %arg12[%add3A_10, %dma_wait3A_44] : memref<10240x128xf32, #tpu.memory_space<vmem_shared>> -> memref<80x128xf32, #tpu.memory_space<vmem_shared>>
      %dma_wait3A_46 = arith.constant 0 : i32
      %dma_wait3A_47 = tpu.memref_slice %arg12[%add3A_10, %dma_wait3A_46] : memref<10240x128xf32, #tpu.memory_space<vmem_shared>> -> memref<80x128xf32, #tpu.memory_space<vmem_shared>>
      tpu.wait_dma2 semaphore(%run_scoped3A : memref<!tpu.dma_semaphore, #tpu.memory_space<semaphore_mem>>) src(%arg10 : memref<80x128xf32, #tpu.memory_space<vmem>>) dst(%dma_wait3A_47 : memref<80x128xf32, #tpu.memory_space<vmem_shared>>)
      tpu.yield
    }) : () -> ()
    %add3A_11 = arith.constant 80 : i32
    %add3A_12 = arith.addi %mul3A_8, %add3A_11 : i32
    "tpu.region"() ({
      %run_scoped3A = tpu.sem_alloc : memref<!tpu.dma_semaphore, #tpu.memory_space<semaphore_mem>>
      %dma_start3A_40 = arith.constant 0 : i32
      %dma_start3A_41 = tpu.memref_slice %arg12[%add3A_12, %dma_start3A_40] : memref<10240x128xf32, #tpu.memory_space<vmem_shared>> -> memref<80x128xf32, #tpu.memory_space<vmem_shared>>
      %dma_start3A_42 = arith.constant 0 : i32
      %dma_start3A_43 = tpu.memref_slice %arg12[%add3A_12, %dma_start3A_42] : memref<10240x128xf32, #tpu.memory_space<vmem_shared>> -> memref<80x128xf32, #tpu.memory_space<vmem_shared>>
      tpu.enqueue_dma source(%arg10 : memref<80x128xf32, #tpu.memory_space<vmem>>) target(%dma_start3A_43 : memref<80x128xf32, #tpu.memory_space<vmem_shared>>) target_semaphore(%run_scoped3A : memref<!tpu.dma_semaphore, #tpu.memory_space<semaphore_mem>>)
      %dma_wait3A_44 = arith.constant 0 : i32
      %dma_wait3A_45 = tpu.memref_slice %arg12[%add3A_12, %dma_wait3A_44] : memref<10240x128xf32, #tpu.memory_space<vmem_shared>> -> memref<80x128xf32, #tpu.memory_space<vmem_shared>>
      %dma_wait3A_46 = arith.constant 0 : i32
      %dma_wait3A_47 = tpu.memref_slice %arg12[%add3A_12, %dma_wait3A_46] : memref<10240x128xf32, #tpu.memory_space<vmem_shared>> -> memref<80x128xf32, #tpu.memory_space<vmem_shared>>
      tpu.wait_dma2 semaphore(%run_scoped3A : memref<!tpu.dma_semaphore, #tpu.memory_space<semaphore_mem>>) src(%arg10 : memref<80x128xf32, #tpu.memory_space<vmem>>) dst(%dma_wait3A_47 : memref<80x128xf32, #tpu.memory_space<vmem_shared>>)
      tpu.yield
    }) : () -> ()
    %add3A_13 = arith.constant 160 : i32
    %add3A_14 = arith.addi %mul3A_8, %add3A_13 : i32
    "tpu.region"() ({
      %run_scoped3A = tpu.sem_alloc : memref<!tpu.dma_semaphore, #tpu.memory_space<semaphore_mem>>
      %dma_start3A_40 = arith.constant 0 : i32
      %dma_start3A_41 = tpu.memref_slice %arg12[%add3A_14, %dma_start3A_40] : memref<10240x128xf32, #tpu.memory_space<vmem_shared>> -> memref<80x128xf32, #tpu.memory_space<vmem_shared>>
      %dma_start3A_42 = arith.constant 0 : i32
      %dma_start3A_43 = tpu.memref_slice %arg12[%add3A_14, %dma_start3A_42] : memref<10240x128xf32, #tpu.memory_space<vmem_shared>> -> memref<80x128xf32, #tpu.memory_space<vmem_shared>>
      tpu.enqueue_dma source(%arg10 : memref<80x128xf32, #tpu.memory_space<vmem>>) target(%dma_start3A_43 : memref<80x128xf32, #tpu.memory_space<vmem_shared>>) target_semaphore(%run_scoped3A : memref<!tpu.dma_semaphore, #tpu.memory_space<semaphore_mem>>)
      %dma_wait3A_44 = arith.constant 0 : i32
      %dma_wait3A_45 = tpu.memref_slice %arg12[%add3A_14, %dma_wait3A_44] : memref<10240x128xf32, #tpu.memory_space<vmem_shared>> -> memref<80x128xf32, #tpu.memory_space<vmem_shared>>
      %dma_wait3A_46 = arith.constant 0 : i32
      %dma_wait3A_47 = tpu.memref_slice %arg12[%add3A_14, %dma_wait3A_46] : memref<10240x128xf32, #tpu.memory_space<vmem_shared>> -> memref<80x128xf32, #tpu.memory_space<vmem_shared>>
      tpu.wait_dma2 semaphore(%run_scoped3A : memref<!tpu.dma_semaphore, #tpu.memory_space<semaphore_mem>>) src(%arg10 : memref<80x128xf32, #tpu.memory_space<vmem>>) dst(%dma_wait3A_47 : memref<80x128xf32, #tpu.memory_space<vmem_shared>>)
      tpu.yield
    }) : () -> ()
    %add3A_15 = arith.constant 240 : i32
    %add3A_16 = arith.addi %mul3A_8, %add3A_15 : i32
    "tpu.region"() ({
      %run_scoped3A = tpu.sem_alloc : memref<!tpu.dma_semaphore, #tpu.memory_space<semaphore_mem>>
      %dma_start3A_40 = arith.constant 0 : i32
      %dma_start3A_41 = tpu.memref_slice %arg12[%add3A_16, %dma_start3A_40] : memref<10240x128xf32, #tpu.memory_space<vmem_shared>> -> memref<80x128xf32, #tpu.memory_space<vmem_shared>>
      %dma_start3A_42 = arith.constant 0 : i32
      %dma_start3A_43 = tpu.memref_slice %arg12[%add3A_16, %dma_start3A_42] : memref<10240x128xf32, #tpu.memory_space<vmem_shared>> -> memref<80x128xf32, #tpu.memory_space<vmem_shared>>
      tpu.enqueue_dma source(%arg10 : memref<80x128xf32, #tpu.memory_space<vmem>>) target(%dma_start3A_43 : memref<80x128xf32, #tpu.memory_space<vmem_shared>>) target_semaphore(%run_scoped3A : memref<!tpu.dma_semaphore, #tpu.memory_space<semaphore_mem>>)
      %dma_wait3A_44 = arith.constant 0 : i32
      %dma_wait3A_45 = tpu.memref_slice %arg12[%add3A_16, %dma_wait3A_44] : memref<10240x128xf32, #tpu.memory_space<vmem_shared>> -> memref<80x128xf32, #tpu.memory_space<vmem_shared>>
      %dma_wait3A_46 = arith.constant 0 : i32
      %dma_wait3A_47 = tpu.memref_slice %arg12[%add3A_16, %dma_wait3A_46] : memref<10240x128xf32, #tpu.memory_space<vmem_shared>> -> memref<80x128xf32, #tpu.memory_space<vmem_shared>>
      tpu.wait_dma2 semaphore(%run_scoped3A : memref<!tpu.dma_semaphore, #tpu.memory_space<semaphore_mem>>) src(%arg10 : memref<80x128xf32, #tpu.memory_space<vmem>>) dst(%dma_wait3A_47 : memref<80x128xf32, #tpu.memory_space<vmem_shared>>)
      tpu.yield
    }) : () -> ()
    %add3A_17 = arith.constant 320 : i32
    %add3A_18 = arith.addi %mul3A_8, %add3A_17 : i32
    "tpu.region"() ({
      %run_scoped3A = tpu.sem_alloc : memref<!tpu.dma_semaphore, #tpu.memory_space<semaphore_mem>>
      %dma_start3A_40 = arith.constant 0 : i32
      %dma_start3A_41 = tpu.memref_slice %arg12[%add3A_18, %dma_start3A_40] : memref<10240x128xf32, #tpu.memory_space<vmem_shared>> -> memref<80x128xf32, #tpu.memory_space<vmem_shared>>
      %dma_start3A_42 = arith.constant 0 : i32
      %dma_start3A_43 = tpu.memref_slice %arg12[%add3A_18, %dma_start3A_42] : memref<10240x128xf32, #tpu.memory_space<vmem_shared>> -> memref<80x128xf32, #tpu.memory_space<vmem_shared>>
      tpu.enqueue_dma source(%arg10 : memref<80x128xf32, #tpu.memory_space<vmem>>) target(%dma_start3A_43 : memref<80x128xf32, #tpu.memory_space<vmem_shared>>) target_semaphore(%run_scoped3A : memref<!tpu.dma_semaphore, #tpu.memory_space<semaphore_mem>>)
      %dma_wait3A_44 = arith.constant 0 : i32
      %dma_wait3A_45 = tpu.memref_slice %arg12[%add3A_18, %dma_wait3A_44] : memref<10240x128xf32, #tpu.memory_space<vmem_shared>> -> memref<80x128xf32, #tpu.memory_space<vmem_shared>>
      %dma_wait3A_46 = arith.constant 0 : i32
      %dma_wait3A_47 = tpu.memref_slice %arg12[%add3A_18, %dma_wait3A_46] : memref<10240x128xf32, #tpu.memory_space<vmem_shared>> -> memref<80x128xf32, #tpu.memory_space<vmem_shared>>
      tpu.wait_dma2 semaphore(%run_scoped3A : memref<!tpu.dma_semaphore, #tpu.memory_space<semaphore_mem>>) src(%arg10 : memref<80x128xf32, #tpu.memory_space<vmem>>) dst(%dma_wait3A_47 : memref<80x128xf32, #tpu.memory_space<vmem_shared>>)
      tpu.yield
    }) : () -> ()
    %add3A_19 = arith.constant 400 : i32
    %add3A_20 = arith.addi %mul3A_8, %add3A_19 : i32
    "tpu.region"() ({
      %run_scoped3A = tpu.sem_alloc : memref<!tpu.dma_semaphore, #tpu.memory_space<semaphore_mem>>
      %dma_start3A_40 = arith.constant 0 : i32
      %dma_start3A_41 = tpu.memref_slice %arg12[%add3A_20, %dma_start3A_40] : memref<10240x128xf32, #tpu.memory_space<vmem_shared>> -> memref<80x128xf32, #tpu.memory_space<vmem_shared>>
      %dma_start3A_42 = arith.constant 0 : i32
      %dma_start3A_43 = tpu.memref_slice %arg12[%add3A_20, %dma_start3A_42] : memref<10240x128xf32, #tpu.memory_space<vmem_shared>> -> memref<80x128xf32, #tpu.memory_space<vmem_shared>>
      tpu.enqueue_dma source(%arg10 : memref<80x128xf32, #tpu.memory_space<vmem>>) target(%dma_start3A_43 : memref<80x128xf32, #tpu.memory_space<vmem_shared>>) target_semaphore(%run_scoped3A : memref<!tpu.dma_semaphore, #tpu.memory_space<semaphore_mem>>)
      %dma_wait3A_44 = arith.constant 0 : i32
      %dma_wait3A_45 = tpu.memref_slice %arg12[%add3A_20, %dma_wait3A_44] : memref<10240x128xf32, #tpu.memory_space<vmem_shared>> -> memref<80x128xf32, #tpu.memory_space<vmem_shared>>
      %dma_wait3A_46 = arith.constant 0 : i32
      %dma_wait3A_47 = tpu.memref_slice %arg12[%add3A_20, %dma_wait3A_46] : memref<10240x128xf32, #tpu.memory_space<vmem_shared>> -> memref<80x128xf32, #tpu.memory_space<vmem_shared>>
      tpu.wait_dma2 semaphore(%run_scoped3A : memref<!tpu.dma_semaphore, #tpu.memory_space<semaphore_mem>>) src(%arg10 : memref<80x128xf32, #tpu.memory_space<vmem>>) dst(%dma_wait3A_47 : memref<80x128xf32, #tpu.memory_space<vmem_shared>>)
      tpu.yield
    }) : () -> ()
    %add3A_21 = arith.constant 480 : i32
    %add3A_22 = arith.addi %mul3A_8, %add3A_21 : i32
    "tpu.region"() ({
      %run_scoped3A = tpu.sem_alloc : memref<!tpu.dma_semaphore, #tpu.memory_space<semaphore_mem>>
      %dma_start3A_40 = arith.constant 0 : i32
      %dma_start3A_41 = tpu.memref_slice %arg12[%add3A_22, %dma_start3A_40] : memref<10240x128xf32, #tpu.memory_space<vmem_shared>> -> memref<80x128xf32, #tpu.memory_space<vmem_shared>>
      %dma_start3A_42 = arith.constant 0 : i32
      %dma_start3A_43 = tpu.memref_slice %arg12[%add3A_22, %dma_start3A_42] : memref<10240x128xf32, #tpu.memory_space<vmem_shared>> -> memref<80x128xf32, #tpu.memory_space<vmem_shared>>
      tpu.enqueue_dma source(%arg10 : memref<80x128xf32, #tpu.memory_space<vmem>>) target(%dma_start3A_43 : memref<80x128xf32, #tpu.memory_space<vmem_shared>>) target_semaphore(%run_scoped3A : memref<!tpu.dma_semaphore, #tpu.memory_space<semaphore_mem>>)
      %dma_wait3A_44 = arith.constant 0 : i32
      %dma_wait3A_45 = tpu.memref_slice %arg12[%add3A_22, %dma_wait3A_44] : memref<10240x128xf32, #tpu.memory_space<vmem_shared>> -> memref<80x128xf32, #tpu.memory_space<vmem_shared>>
      %dma_wait3A_46 = arith.constant 0 : i32
      %dma_wait3A_47 = tpu.memref_slice %arg12[%add3A_22, %dma_wait3A_46] : memref<10240x128xf32, #tpu.memory_space<vmem_shared>> -> memref<80x128xf32, #tpu.memory_space<vmem_shared>>
      tpu.wait_dma2 semaphore(%run_scoped3A : memref<!tpu.dma_semaphore, #tpu.memory_space<semaphore_mem>>) src(%arg10 : memref<80x128xf32, #tpu.memory_space<vmem>>) dst(%dma_wait3A_47 : memref<80x128xf32, #tpu.memory_space<vmem_shared>>)
      tpu.yield
    }) : () -> ()
    %add3A_23 = arith.constant 560 : i32
    %add3A_24 = arith.addi %mul3A_8, %add3A_23 : i32
    "tpu.region"() ({
      %run_scoped3A = tpu.sem_alloc : memref<!tpu.dma_semaphore, #tpu.memory_space<semaphore_mem>>
      %dma_start3A_40 = arith.constant 0 : i32
      %dma_start3A_41 = tpu.memref_slice %arg12[%add3A_24, %dma_start3A_40] : memref<10240x128xf32, #tpu.memory_space<vmem_shared>> -> memref<80x128xf32, #tpu.memory_space<vmem_shared>>
      %dma_start3A_42 = arith.constant 0 : i32
      %dma_start3A_43 = tpu.memref_slice %arg12[%add3A_24, %dma_start3A_42] : memref<10240x128xf32, #tpu.memory_space<vmem_shared>> -> memref<80x128xf32, #tpu.memory_space<vmem_shared>>
      tpu.enqueue_dma source(%arg10 : memref<80x128xf32, #tpu.memory_space<vmem>>) target(%dma_start3A_43 : memref<80x128xf32, #tpu.memory_space<vmem_shared>>) target_semaphore(%run_scoped3A : memref<!tpu.dma_semaphore, #tpu.memory_space<semaphore_mem>>)
      %dma_wait3A_44 = arith.constant 0 : i32
      %dma_wait3A_45 = tpu.memref_slice %arg12[%add3A_24, %dma_wait3A_44] : memref<10240x128xf32, #tpu.memory_space<vmem_shared>> -> memref<80x128xf32, #tpu.memory_space<vmem_shared>>
      %dma_wait3A_46 = arith.constant 0 : i32
      %dma_wait3A_47 = tpu.memref_slice %arg12[%add3A_24, %dma_wait3A_46] : memref<10240x128xf32, #tpu.memory_space<vmem_shared>> -> memref<80x128xf32, #tpu.memory_space<vmem_shared>>
      tpu.wait_dma2 semaphore(%run_scoped3A : memref<!tpu.dma_semaphore, #tpu.memory_space<semaphore_mem>>) src(%arg10 : memref<80x128xf32, #tpu.memory_space<vmem>>) dst(%dma_wait3A_47 : memref<80x128xf32, #tpu.memory_space<vmem_shared>>)
      tpu.yield
    }) : () -> ()
    %barrier3A = arith.constant 0 : index
    tpu.barrier barrier_id(%barrier3A)
    %mul3A_25 = arith.constant 10000 : i32
    %mul3A_26 = arith.muli %add3A, %mul3A_25 : i32
    %add3A_27 = arith.constant 0 : i32
    %add3A_28 = arith.addi %mul3A_26, %add3A_27 : i32
    "tpu.region"() ({
      %run_scoped3A = tpu.sem_alloc : memref<!tpu.dma_semaphore, #tpu.memory_space<semaphore_mem>>
      %dma_start3A_40 = tpu.memref_slice %arg3[%add3A_28] : memref<320000xi32, #tpu.memory_space<hbm>> -> memref<80xi32, #tpu.memory_space<hbm>>
      %dma_start3A_41 = tpu.memref_slice %arg3[%add3A_28] : memref<320000xi32, #tpu.memory_space<hbm>> -> memref<80xi32, #tpu.memory_space<hbm>>
      tpu.enqueue_dma source(%dma_start3A_41 : memref<80xi32, #tpu.memory_space<hbm>>) target(%arg6 : memref<80xi32, #tpu.memory_space<vmem>>) target_semaphore(%run_scoped3A : memref<!tpu.dma_semaphore, #tpu.memory_space<semaphore_mem>>)
      %dma_wait3A_42 = tpu.memref_slice %arg3[%add3A_28] : memref<320000xi32, #tpu.memory_space<hbm>> -> memref<80xi32, #tpu.memory_space<hbm>>
      %dma_wait3A_43 = tpu.memref_slice %arg3[%add3A_28] : memref<320000xi32, #tpu.memory_space<hbm>> -> memref<80xi32, #tpu.memory_space<hbm>>
      tpu.wait_dma2 semaphore(%run_scoped3A : memref<!tpu.dma_semaphore, #tpu.memory_space<semaphore_mem>>) src(%dma_wait3A_43 : memref<80xi32, #tpu.memory_space<hbm>>) dst(%arg6 : memref<80xi32, #tpu.memory_space<vmem>>)
      tpu.yield
    }) : () -> ()
    "tpu.region"() ({
      %run_scoped3A = tpu.sem_alloc : memref<!tpu.dma_semaphore, #tpu.memory_space<semaphore_mem>>
      %dma_start3A_40 = tpu.memref_slice %arg4[%add3A_28] : memref<320000xi32, #tpu.memory_space<hbm>> -> memref<80xi32, #tpu.memory_space<hbm>>
      %dma_start3A_41 = tpu.memref_slice %arg4[%add3A_28] : memref<320000xi32, #tpu.memory_space<hbm>> -> memref<80xi32, #tpu.memory_space<hbm>>
      tpu.enqueue_dma source(%dma_start3A_41 : memref<80xi32, #tpu.memory_space<hbm>>) target(%arg8 : memref<80xi32, #tpu.memory_space<vmem>>) target_semaphore(%run_scoped3A : memref<!tpu.dma_semaphore, #tpu.memory_space<semaphore_mem>>)
      %dma_wait3A_42 = tpu.memref_slice %arg4[%add3A_28] : memref<320000xi32, #tpu.memory_space<hbm>> -> memref<80xi32, #tpu.memory_space<hbm>>
      %dma_wait3A_43 = tpu.memref_slice %arg4[%add3A_28] : memref<320000xi32, #tpu.memory_space<hbm>> -> memref<80xi32, #tpu.memory_space<hbm>>
      tpu.wait_dma2 semaphore(%run_scoped3A : memref<!tpu.dma_semaphore, #tpu.memory_space<semaphore_mem>>) src(%dma_wait3A_43 : memref<80xi32, #tpu.memory_space<hbm>>) dst(%arg8 : memref<80xi32, #tpu.memory_space<vmem>>)
      tpu.yield
    }) : () -> ()
    %dma_start3A = arith.constant 0 : i32
    %dma_start3A_29 = arith.constant 0 : i32
    %dma_start3A_30 = tpu.memref_slice %arg2[%dma_start3A, %dma_start3A_29] : memref<10000x128xf32, #tpu.memory_space<hbm>> -> memref<10000x128xf32, #tpu.memory_space<hbm>>
    tpu.enqueue_indirect_dma source(%dma_start3A_30 : memref<10000x128xf32, #tpu.memory_space<hbm>>) target(%arg10 : memref<80x128xf32, #tpu.memory_space<vmem>>) offsets(%arg6 : memref<80xi32, #tpu.memory_space<vmem>>) semaphore(%arg13 : memref<!tpu.dma_semaphore, #tpu.memory_space<semaphore_mem>>)
    %scan3A_31 = arith.constant 0 : i32
    %scan3A_32 = arith.constant 0 : i32
    %scan3A_33 = arith.constant 62 : i32
    %scan3A_34 = arith.addi %scan3A_32, %scan3A_33 : i32
    %scan3A_35 = arith.constant 1 : i32
    scf.for %scan3A_40 = %scan3A_32 to %scan3A_34 step %scan3A_35  : i32 {
      %mul3A_41 = arith.constant 2 : i32
      %mul3A_42 = arith.muli %mul3A_41, %scan3A_40 : i32
      %add3A_43 = arith.constant 1 : i32
      %add3A_44 = arith.addi %mul3A_42, %add3A_43 : i32
      %mul3A_45 = arith.constant 80 : i32
      %mul3A_46 = arith.muli %add3A_44, %mul3A_45 : i32
      %add3A_47 = arith.addi %mul3A_26, %mul3A_46 : i32
      "tpu.region"() ({
        %run_scoped3A = tpu.sem_alloc : memref<!tpu.dma_semaphore, #tpu.memory_space<semaphore_mem>>
        %dma_start3A_65 = tpu.memref_slice %arg3[%add3A_47] : memref<320000xi32, #tpu.memory_space<hbm>> -> memref<80xi32, #tpu.memory_space<hbm>>
        %dma_start3A_66 = tpu.memref_slice %arg3[%add3A_47] : memref<320000xi32, #tpu.memory_space<hbm>> -> memref<80xi32, #tpu.memory_space<hbm>>
        tpu.enqueue_dma source(%dma_start3A_66 : memref<80xi32, #tpu.memory_space<hbm>>) target(%arg7 : memref<80xi32, #tpu.memory_space<vmem>>) target_semaphore(%run_scoped3A : memref<!tpu.dma_semaphore, #tpu.memory_space<semaphore_mem>>)
        %dma_wait3A_67 = tpu.memref_slice %arg3[%add3A_47] : memref<320000xi32, #tpu.memory_space<hbm>> -> memref<80xi32, #tpu.memory_space<hbm>>
        %dma_wait3A_68 = tpu.memref_slice %arg3[%add3A_47] : memref<320000xi32, #tpu.memory_space<hbm>> -> memref<80xi32, #tpu.memory_space<hbm>>
        tpu.wait_dma2 semaphore(%run_scoped3A : memref<!tpu.dma_semaphore, #tpu.memory_space<semaphore_mem>>) src(%dma_wait3A_68 : memref<80xi32, #tpu.memory_space<hbm>>) dst(%arg7 : memref<80xi32, #tpu.memory_space<vmem>>)
        tpu.yield
      }) : () -> ()
      "tpu.region"() ({
        %run_scoped3A = tpu.sem_alloc : memref<!tpu.dma_semaphore, #tpu.memory_space<semaphore_mem>>
        %dma_start3A_65 = tpu.memref_slice %arg4[%add3A_47] : memref<320000xi32, #tpu.memory_space<hbm>> -> memref<80xi32, #tpu.memory_space<hbm>>
        %dma_start3A_66 = tpu.memref_slice %arg4[%add3A_47] : memref<320000xi32, #tpu.memory_space<hbm>> -> memref<80xi32, #tpu.memory_space<hbm>>
        tpu.enqueue_dma source(%dma_start3A_66 : memref<80xi32, #tpu.memory_space<hbm>>) target(%arg9 : memref<80xi32, #tpu.memory_space<vmem>>) target_semaphore(%run_scoped3A : memref<!tpu.dma_semaphore, #tpu.memory_space<semaphore_mem>>)
        %dma_wait3A_67 = tpu.memref_slice %arg4[%add3A_47] : memref<320000xi32, #tpu.memory_space<hbm>> -> memref<80xi32, #tpu.memory_space<hbm>>
        %dma_wait3A_68 = tpu.memref_slice %arg4[%add3A_47] : memref<320000xi32, #tpu.memory_space<hbm>> -> memref<80xi32, #tpu.memory_space<hbm>>
        tpu.wait_dma2 semaphore(%run_scoped3A : memref<!tpu.dma_semaphore, #tpu.memory_space<semaphore_mem>>) src(%dma_wait3A_68 : memref<80xi32, #tpu.memory_space<hbm>>) dst(%arg9 : memref<80xi32, #tpu.memory_space<vmem>>)
        tpu.yield
      }) : () -> ()
      %dma_start3A_48 = arith.constant 0 : i32
      %dma_start3A_49 = arith.constant 0 : i32
      %dma_start3A_50 = tpu.memref_slice %arg2[%dma_start3A_48, %dma_start3A_49] : memref<10000x128xf32, #tpu.memory_space<hbm>> -> memref<10000x128xf32, #tpu.memory_space<hbm>>
      tpu.enqueue_indirect_dma source(%dma_start3A_50 : memref<10000x128xf32, #tpu.memory_space<hbm>>) target(%arg11 : memref<80x128xf32, #tpu.memory_space<vmem>>) offsets(%arg7 : memref<80xi32, #tpu.memory_space<vmem>>) semaphore(%arg14 : memref<!tpu.dma_semaphore, #tpu.memory_space<semaphore_mem>>)
      %dma_wait3A_51 = arith.constant 0 : i32
      %dma_wait3A_52 = arith.constant 0 : i32
      %dma_wait3A_53 = tpu.memref_slice %arg2[%dma_wait3A_51, %dma_wait3A_52] : memref<10000x128xf32, #tpu.memory_space<hbm>> -> memref<10000x128xf32, #tpu.memory_space<hbm>>
      tpu.wait_indirect_dma semaphore(%arg13 : memref<!tpu.dma_semaphore, #tpu.memory_space<semaphore_mem>>) src(%dma_wait3A_53 : memref<10000x128xf32, #tpu.memory_space<hbm>>) dst(%arg10 : memref<80x128xf32, #tpu.memory_space<vmem>>)
      "tpu.region"() ({
        %run_scoped3A = tpu.sem_alloc : memref<!tpu.dma_semaphore, #tpu.memory_space<semaphore_mem>>
        %dma_start3A_65 = arith.constant 0 : i32
        %dma_start3A_66 = arith.constant 0 : i32
        %dma_start3A_67 = tpu.memref_slice %arg12[%dma_start3A_65, %dma_start3A_66] : memref<10240x128xf32, #tpu.memory_space<vmem_shared>> -> memref<10240x128xf32, #tpu.memory_space<vmem_shared>>
        tpu.enqueue_indirect_dma source(%arg10 : memref<80x128xf32, #tpu.memory_space<vmem>>) target(%dma_start3A_67 : memref<10240x128xf32, #tpu.memory_space<vmem_shared>>) offsets(%arg8 : memref<80xi32, #tpu.memory_space<vmem>>) semaphore(%run_scoped3A : memref<!tpu.dma_semaphore, #tpu.memory_space<semaphore_mem>>) {add = true}
        %dma_wait3A_68 = arith.constant 0 : i32
        %dma_wait3A_69 = arith.constant 0 : i32
        %dma_wait3A_70 = tpu.memref_slice %arg12[%dma_wait3A_68, %dma_wait3A_69] : memref<10240x128xf32, #tpu.memory_space<vmem_shared>> -> memref<10240x128xf32, #tpu.memory_space<vmem_shared>>
        tpu.wait_indirect_dma semaphore(%run_scoped3A : memref<!tpu.dma_semaphore, #tpu.memory_space<semaphore_mem>>) src(%arg10 : memref<80x128xf32, #tpu.memory_space<vmem>>) dst(%dma_wait3A_70 : memref<10240x128xf32, #tpu.memory_space<vmem_shared>>)
        tpu.yield
      }) : () -> ()
      %add3A_54 = arith.constant 2 : i32
      %add3A_55 = arith.addi %mul3A_42, %add3A_54 : i32
      %mul3A_56 = arith.constant 80 : i32
      %mul3A_57 = arith.muli %add3A_55, %mul3A_56 : i32
      %add3A_58 = arith.addi %mul3A_26, %mul3A_57 : i32
      "tpu.region"() ({
        %run_scoped3A = tpu.sem_alloc : memref<!tpu.dma_semaphore, #tpu.memory_space<semaphore_mem>>
        %dma_start3A_65 = tpu.memref_slice %arg3[%add3A_58] : memref<320000xi32, #tpu.memory_space<hbm>> -> memref<80xi32, #tpu.memory_space<hbm>>
        %dma_start3A_66 = tpu.memref_slice %arg3[%add3A_58] : memref<320000xi32, #tpu.memory_space<hbm>> -> memref<80xi32, #tpu.memory_space<hbm>>
        tpu.enqueue_dma source(%dma_start3A_66 : memref<80xi32, #tpu.memory_space<hbm>>) target(%arg6 : memref<80xi32, #tpu.memory_space<vmem>>) target_semaphore(%run_scoped3A : memref<!tpu.dma_semaphore, #tpu.memory_space<semaphore_mem>>)
        %dma_wait3A_67 = tpu.memref_slice %arg3[%add3A_58] : memref<320000xi32, #tpu.memory_space<hbm>> -> memref<80xi32, #tpu.memory_space<hbm>>
        %dma_wait3A_68 = tpu.memref_slice %arg3[%add3A_58] : memref<320000xi32, #tpu.memory_space<hbm>> -> memref<80xi32, #tpu.memory_space<hbm>>
        tpu.wait_dma2 semaphore(%run_scoped3A : memref<!tpu.dma_semaphore, #tpu.memory_space<semaphore_mem>>) src(%dma_wait3A_68 : memref<80xi32, #tpu.memory_space<hbm>>) dst(%arg6 : memref<80xi32, #tpu.memory_space<vmem>>)
        tpu.yield
      }) : () -> ()
      "tpu.region"() ({
        %run_scoped3A = tpu.sem_alloc : memref<!tpu.dma_semaphore, #tpu.memory_space<semaphore_mem>>
        %dma_start3A_65 = tpu.memref_slice %arg4[%add3A_58] : memref<320000xi32, #tpu.memory_space<hbm>> -> memref<80xi32, #tpu.memory_space<hbm>>
        %dma_start3A_66 = tpu.memref_slice %arg4[%add3A_58] : memref<320000xi32, #tpu.memory_space<hbm>> -> memref<80xi32, #tpu.memory_space<hbm>>
        tpu.enqueue_dma source(%dma_start3A_66 : memref<80xi32, #tpu.memory_space<hbm>>) target(%arg8 : memref<80xi32, #tpu.memory_space<vmem>>) target_semaphore(%run_scoped3A : memref<!tpu.dma_semaphore, #tpu.memory_space<semaphore_mem>>)
        %dma_wait3A_67 = tpu.memref_slice %arg4[%add3A_58] : memref<320000xi32, #tpu.memory_space<hbm>> -> memref<80xi32, #tpu.memory_space<hbm>>
        %dma_wait3A_68 = tpu.memref_slice %arg4[%add3A_58] : memref<320000xi32, #tpu.memory_space<hbm>> -> memref<80xi32, #tpu.memory_space<hbm>>
        tpu.wait_dma2 semaphore(%run_scoped3A : memref<!tpu.dma_semaphore, #tpu.memory_space<semaphore_mem>>) src(%dma_wait3A_68 : memref<80xi32, #tpu.memory_space<hbm>>) dst(%arg8 : memref<80xi32, #tpu.memory_space<vmem>>)
        tpu.yield
      }) : () -> ()
      %dma_start3A_59 = arith.constant 0 : i32
      %dma_start3A_60 = arith.constant 0 : i32
      %dma_start3A_61 = tpu.memref_slice %arg2[%dma_start3A_59, %dma_start3A_60] : memref<10000x128xf32, #tpu.memory_space<hbm>> -> memref<10000x128xf32, #tpu.memory_space<hbm>>
      tpu.enqueue_indirect_dma source(%dma_start3A_61 : memref<10000x128xf32, #tpu.memory_space<hbm>>) target(%arg10 : memref<80x128xf32, #tpu.memory_space<vmem>>) offsets(%arg6 : memref<80xi32, #tpu.memory_space<vmem>>) semaphore(%arg13 : memref<!tpu.dma_semaphore, #tpu.memory_space<semaphore_mem>>)
      %dma_wait3A_62 = arith.constant 0 : i32
      %dma_wait3A_63 = arith.constant 0 : i32
      %dma_wait3A_64 = tpu.memref_slice %arg2[%dma_wait3A_62, %dma_wait3A_63] : memref<10000x128xf32, #tpu.memory_space<hbm>> -> memref<10000x128xf32, #tpu.memory_space<hbm>>
      tpu.wait_indirect_dma semaphore(%arg14 : memref<!tpu.dma_semaphore, #tpu.memory_space<semaphore_mem>>) src(%dma_wait3A_64 : memref<10000x128xf32, #tpu.memory_space<hbm>>) dst(%arg11 : memref<80x128xf32, #tpu.memory_space<vmem>>)
      "tpu.region"() ({
        %run_scoped3A = tpu.sem_alloc : memref<!tpu.dma_semaphore, #tpu.memory_space<semaphore_mem>>
        %dma_start3A_65 = arith.constant 0 : i32
        %dma_start3A_66 = arith.constant 0 : i32
        %dma_start3A_67 = tpu.memref_slice %arg12[%dma_start3A_65, %dma_start3A_66] : memref<10240x128xf32, #tpu.memory_space<vmem_shared>> -> memref<10240x128xf32, #tpu.memory_space<vmem_shared>>
        tpu.enqueue_indirect_dma source(%arg11 : memref<80x128xf32, #tpu.memory_space<vmem>>) target(%dma_start3A_67 : memref<10240x128xf32, #tpu.memory_space<vmem_shared>>) offsets(%arg9 : memref<80xi32, #tpu.memory_space<vmem>>) semaphore(%run_scoped3A : memref<!tpu.dma_semaphore, #tpu.memory_space<semaphore_mem>>) {add = true}
        %dma_wait3A_68 = arith.constant 0 : i32
        %dma_wait3A_69 = arith.constant 0 : i32
        %dma_wait3A_70 = tpu.memref_slice %arg12[%dma_wait3A_68, %dma_wait3A_69] : memref<10240x128xf32, #tpu.memory_space<vmem_shared>> -> memref<10240x128xf32, #tpu.memory_space<vmem_shared>>
        tpu.wait_indirect_dma semaphore(%run_scoped3A : memref<!tpu.dma_semaphore, #tpu.memory_space<semaphore_mem>>) src(%arg11 : memref<80x128xf32, #tpu.memory_space<vmem>>) dst(%dma_wait3A_70 : memref<10240x128xf32, #tpu.memory_space<vmem_shared>>)
        tpu.yield
      }) : () -> ()
    }
    %scan3A_36 = arith.constant 62 : i32
    %dma_wait3A = arith.constant 0 : i32
    %dma_wait3A_37 = arith.constant 0 : i32
    %dma_wait3A_38 = tpu.memref_slice %arg2[%dma_wait3A, %dma_wait3A_37] : memref<10000x128xf32, #tpu.memory_space<hbm>> -> memref<10000x128xf32, #tpu.memory_space<hbm>>
    tpu.wait_indirect_dma semaphore(%arg13 : memref<!tpu.dma_semaphore, #tpu.memory_space<semaphore_mem>>) src(%dma_wait3A_38 : memref<10000x128xf32, #tpu.memory_space<hbm>>) dst(%arg10 : memref<80x128xf32, #tpu.memory_space<vmem>>)
    "tpu.region"() ({
      %run_scoped3A = tpu.sem_alloc : memref<!tpu.dma_semaphore, #tpu.memory_space<semaphore_mem>>
      %dma_start3A_40 = arith.constant 0 : i32
      %dma_start3A_41 = arith.constant 0 : i32
      %dma_start3A_42 = tpu.memref_slice %arg12[%dma_start3A_40, %dma_start3A_41] : memref<10240x128xf32, #tpu.memory_space<vmem_shared>> -> memref<10240x128xf32, #tpu.memory_space<vmem_shared>>
      tpu.enqueue_indirect_dma source(%arg10 : memref<80x128xf32, #tpu.memory_space<vmem>>) target(%dma_start3A_42 : memref<10240x128xf32, #tpu.memory_space<vmem_shared>>) offsets(%arg8 : memref<80xi32, #tpu.memory_space<vmem>>) semaphore(%run_scoped3A : memref<!tpu.dma_semaphore, #tpu.memory_space<semaphore_mem>>) {add = true}
      %dma_wait3A_43 = arith.constant 0 : i32
      %dma_wait3A_44 = arith.constant 0 : i32
      %dma_wait3A_45 = tpu.memref_slice %arg12[%dma_wait3A_43, %dma_wait3A_44] : memref<10240x128xf32, #tpu.memory_space<vmem_shared>> -> memref<10240x128xf32, #tpu.memory_space<vmem_shared>>
      tpu.wait_indirect_dma semaphore(%run_scoped3A : memref<!tpu.dma_semaphore, #tpu.memory_space<semaphore_mem>>) src(%arg10 : memref<80x128xf32, #tpu.memory_space<vmem>>) dst(%dma_wait3A_45 : memref<10240x128xf32, #tpu.memory_space<vmem_shared>>)
      tpu.yield
    }) : () -> ()
    %barrier3A_39 = arith.constant 0 : index
    tpu.barrier barrier_id(%barrier3A_39)
    "tpu.region"() ({
      %run_scoped3A = tpu.sem_alloc : memref<!tpu.dma_semaphore, #tpu.memory_space<semaphore_mem>>
      %dma_start3A_40 = arith.constant 0 : i32
      %dma_start3A_41 = tpu.memref_slice %arg5[%arg0, %mul3A_8, %dma_start3A_40] : memref<2x10240x128xf32, #tpu.memory_space<hbm>> -> memref<1x640x128xf32, #tpu.memory_space<hbm>>
      %dma_start3A_42 = tpu.memref_squeeze %dma_start3A_41 : memref<1x640x128xf32, #tpu.memory_space<hbm>> -> memref<640x128xf32, #tpu.memory_space<hbm>>
      %dma_start3A_43 = arith.constant 0 : i32
      %dma_start3A_44 = tpu.memref_slice %arg12[%mul3A_8, %dma_start3A_43] : memref<10240x128xf32, #tpu.memory_space<vmem_shared>> -> memref<640x128xf32, #tpu.memory_space<vmem_shared>>
      tpu.enqueue_dma source(%dma_start3A_44 : memref<640x128xf32, #tpu.memory_space<vmem_shared>>) target(%dma_start3A_42 : memref<640x128xf32, #tpu.memory_space<hbm>>) target_semaphore(%run_scoped3A : memref<!tpu.dma_semaphore, #tpu.memory_space<semaphore_mem>>)
      %dma_wait3A_45 = arith.constant 0 : i32
      %dma_wait3A_46 = tpu.memref_slice %arg5[%arg0, %mul3A_8, %dma_wait3A_45] : memref<2x10240x128xf32, #tpu.memory_space<hbm>> -> memref<1x640x128xf32, #tpu.memory_space<hbm>>
      %dma_wait3A_47 = tpu.memref_squeeze %dma_wait3A_46 : memref<1x640x128xf32, #tpu.memory_space<hbm>> -> memref<640x128xf32, #tpu.memory_space<hbm>>
      %dma_wait3A_48 = arith.constant 0 : i32
      %dma_wait3A_49 = tpu.memref_slice %arg12[%mul3A_8, %dma_wait3A_48] : memref<10240x128xf32, #tpu.memory_space<vmem_shared>> -> memref<640x128xf32, #tpu.memory_space<vmem_shared>>
      tpu.wait_dma2 semaphore(%run_scoped3A : memref<!tpu.dma_semaphore, #tpu.memory_space<semaphore_mem>>) src(%dma_wait3A_49 : memref<640x128xf32, #tpu.memory_space<vmem_shared>>) dst(%dma_wait3A_47 : memref<640x128xf32, #tpu.memory_space<hbm>>)
      tpu.yield
    }) : () -> ()
    return
  }
}

module attributes {stable_mosaic.version = 14 : i64} {
  func.func @_tc1_body(%arg0: i32, %arg1: memref<2000x2xf32, #tpu.memory_space<vmem>>, %arg2: memref<2000x128xf32, #tpu.memory_space<vmem>>, %arg3: memref<128x128xf32, #tpu.memory_space<vmem>>, %arg4: memref<2000x1xf32, #tpu.memory_space<vmem>>, %arg5: memref<2000x128xf32, #tpu.memory_space<vmem>>) attributes {dimension_semantics = [#tpu.dimension_semantics<arbitrary>], iteration_bounds = array<i64: 5>, scalar_prefetch = 0 : i64, scratch_operands = 0 : i64, tpu.core_type = #tpu.core_type<tc>, window_params = [{transform_indices = @transform_0, window_bounds = array<i64: 2000, 2>}, {transform_indices = @transform_1, window_bounds = array<i64: 2000, 128>}, {pipeline_mode = #tpu.pipeline_mode<synchronous>, transform_indices = @transform_2, window_bounds = array<i64: 128, 128>}, {transform_indices = @transform_3, window_bounds = array<i64: 2000, 1>}, {transform_indices = @transform_4, window_bounds = array<i64: 2000, 128>}]} {
    %get3A = arith.constant 0 : index
    %get3A_0 = arith.constant 0 : index
    %get3A_1 = vector.load %arg1[%get3A, %get3A_0] : memref<2000x2xf32, #tpu.memory_space<vmem>>, vector<2000x2xf32>
    %slice3A = vector.extract_strided_slice %get3A_1 {offsets = [0, 0], sizes = [2000, 1], strides = [1, 1]} : vector<2000x2xf32> to vector<2000x1xf32>
    %slice3A_2 = vector.extract_strided_slice %get3A_1 {offsets = [0, 1], sizes = [2000, 1], strides = [1, 1]} : vector<2000x2xf32> to vector<2000x1xf32>
    %add3A = arith.addf %slice3A, %slice3A_2 : vector<2000x1xf32>
    %add3A_3 = arith.constant 1.000000e+00 : f32
    %add3A_4 = vector.broadcast %add3A_3 : f32 to vector<2000x1xf32>
    %add3A_5 = arith.addf %add3A, %add3A_4 : vector<2000x1xf32>
    %rsqrt3A = math.rsqrt %add3A_5 : vector<2000x1xf32>
    %swap3A = arith.constant 0 : index
    %swap3A_6 = arith.constant 0 : index
    %swap3A_7 = vector.load %arg4[%swap3A, %swap3A_6] : memref<2000x1xf32, #tpu.memory_space<vmem>>, vector<2000x1xf32>
    tpu.vector_store %arg4[%swap3A, %swap3A_6], %rsqrt3A {strides = array<i32>} : memref<2000x1xf32, #tpu.memory_space<vmem>>, vector<2000x1xf32>,
    %get3A_8 = arith.constant 0 : index
    %get3A_9 = arith.constant 0 : index
    %get3A_10 = vector.load %arg2[%get3A_8, %get3A_9] : memref<2000x128xf32, #tpu.memory_space<vmem>>, vector<2000x128xf32>
    %get3A_11 = arith.constant 0 : index
    %get3A_12 = arith.constant 0 : index
    %get3A_13 = vector.load %arg3[%get3A_11, %get3A_12] : memref<128x128xf32, #tpu.memory_space<vmem>>, vector<128x128xf32>
    %dot_general3A = arith.constant dense<0.000000e+00> : vector<2000x128xf32>
    %dot_general3A_14 = tpu.matmul %get3A_10, %get3A_13, %dot_general3A {dimension_numbers = #tpu.dot_dimension_numbers<[1], [0], [0], [1], [0, 0, 1, 1], [], []>, precision = #tpu.contract_precision<fp32>, transpose_lhs_hint = false} : vector<2000x128xf32>, vector<128x128xf32>, vector<2000x128xf32> -> vector<2000x128xf32>
    %mul3A = vector.broadcast %rsqrt3A : vector<2000x1xf32> to vector<2000x128xf32>
    %mul3A_15 = arith.mulf %dot_general3A_14, %mul3A : vector<2000x128xf32>
    %swap3A_16 = arith.constant 0 : index
    %swap3A_17 = arith.constant 0 : index
    %swap3A_18 = vector.load %arg5[%swap3A_16, %swap3A_17] : memref<2000x128xf32, #tpu.memory_space<vmem>>, vector<2000x128xf32>
    tpu.vector_store %arg5[%swap3A_16, %swap3A_17], %mul3A_15 {strides = array<i32>} : memref<2000x128xf32, #tpu.memory_space<vmem>>, vector<2000x128xf32>,
    return
  }
  func.func @transform_0(%arg0: i32) -> (i32, i32) {
    %c0_i32 = arith.constant 0 : i32
    %c0_i32_0 = arith.constant 0 : i32
    return %arg0, %c0_i32 : i32, i32
  }
  func.func @transform_1(%arg0: i32) -> (i32, i32) {
    %c0_i32 = arith.constant 0 : i32
    %c0_i32_0 = arith.constant 0 : i32
    return %arg0, %c0_i32 : i32, i32
  }
  func.func @transform_2(%arg0: i32) -> (i32, i32) {
    %c0_i32 = arith.constant 0 : i32
    %c0_i32_0 = arith.constant 0 : i32
    %c0_i32_1 = arith.constant 0 : i32
    return %c0_i32, %c0_i32_0 : i32, i32
  }
  func.func @transform_3(%arg0: i32) -> (i32, i32) {
    %c0_i32 = arith.constant 0 : i32
    %c0_i32_0 = arith.constant 0 : i32
    return %arg0, %c0_i32 : i32, i32
  }
  func.func @transform_4(%arg0: i32) -> (i32, i32) {
    %c0_i32 = arith.constant 0 : i32
    %c0_i32_0 = arith.constant 0 : i32
    return %arg0, %c0_i32 : i32, i32
  }
}

module attributes {stable_mosaic.version = 14 : i64} {
  func.func @_tc2_body(%arg0: i32, %arg1: memref<1x2000x128xf32, #tpu.memory_space<vmem>>, %arg2: memref<1x2000x128xf32, #tpu.memory_space<vmem>>, %arg3: memref<2000x128xf32, #tpu.memory_space<vmem>>, %arg4: memref<2000x1xf32, #tpu.memory_space<vmem>>, %arg5: memref<1x128xf32, #tpu.memory_space<vmem>>, %arg6: memref<128x128xf32, #tpu.memory_space<vmem>>, %arg7: memref<2000x128xf32, #tpu.memory_space<vmem>>) attributes {dimension_semantics = [#tpu.dimension_semantics<arbitrary>], iteration_bounds = array<i64: 5>, scalar_prefetch = 0 : i64, scratch_operands = 0 : i64, tpu.core_type = #tpu.core_type<tc>, window_params = [{transform_indices = @transform_0, window_bounds = array<i64: 1, 2000, 128>}, {transform_indices = @transform_1, window_bounds = array<i64: 1, 2000, 128>}, {transform_indices = @transform_2, window_bounds = array<i64: 2000, 128>}, {transform_indices = @transform_3, window_bounds = array<i64: 2000, 1>}, {pipeline_mode = #tpu.pipeline_mode<synchronous>, transform_indices = @transform_4, window_bounds = array<i64: 1, 128>}, {pipeline_mode = #tpu.pipeline_mode<synchronous>, transform_indices = @transform_5, window_bounds = array<i64: 128, 128>}, {transform_indices = @transform_6, window_bounds = array<i64: 2000, 128>}]} {
    %get3A = arith.constant 0 : index
    %get3A_0 = arith.constant 0 : index
    %get3A_1 = vector.load %arg4[%get3A, %get3A_0] : memref<2000x1xf32, #tpu.memory_space<vmem>>, vector<2000x1xf32>
    %get3A_2 = arith.constant 0 : index
    %get3A_3 = arith.constant 0 : index
    %get3A_4 = arith.constant 0 : index
    %get3A_5 = vector.load %arg1[%get3A_2, %get3A_3, %get3A_4] : memref<1x2000x128xf32, #tpu.memory_space<vmem>>, vector<1x2000x128xf32>
    %get3A_6 = vector.shape_cast %get3A_5 : vector<1x2000x128xf32> to vector<2000x128xf32>
    %get3A_7 = arith.constant 0 : index
    %get3A_8 = arith.constant 0 : index
    %get3A_9 = arith.constant 0 : index
    %get3A_10 = vector.load %arg2[%get3A_7, %get3A_8, %get3A_9] : memref<1x2000x128xf32, #tpu.memory_space<vmem>>, vector<1x2000x128xf32>
    %get3A_11 = vector.shape_cast %get3A_10 : vector<1x2000x128xf32> to vector<2000x128xf32>
    %add3A = arith.addf %get3A_6, %get3A_11 : vector<2000x128xf32>
    %get3A_12 = arith.constant 0 : index
    %get3A_13 = arith.constant 0 : index
    %get3A_14 = vector.load %arg3[%get3A_12, %get3A_13] : memref<2000x128xf32, #tpu.memory_space<vmem>>, vector<2000x128xf32>
    %add3A_15 = arith.addf %add3A, %get3A_14 : vector<2000x128xf32>
    %mul3A = vector.broadcast %get3A_1 : vector<2000x1xf32> to vector<2000x128xf32>
    %mul3A_16 = arith.mulf %mul3A, %add3A_15 : vector<2000x128xf32>
    %get3A_17 = arith.constant 0 : index
    %get3A_18 = arith.constant 0 : index
    %get3A_19 = vector.load %arg5[%get3A_17, %get3A_18] : memref<1x128xf32, #tpu.memory_space<vmem>>, vector<1x128xf32>
    %add3A_20 = vector.broadcast %get3A_19 : vector<1x128xf32> to vector<2000x128xf32>
    %add3A_21 = arith.addf %mul3A_16, %add3A_20 : vector<2000x128xf32>
    %max3A = arith.constant 0.000000e+00 : f32
    %max3A_22 = vector.broadcast %max3A : f32 to vector<2000x128xf32>
    %max3A_23 = arith.maximumf %add3A_21, %max3A_22 : vector<2000x128xf32>
    %get3A_24 = arith.constant 0 : index
    %get3A_25 = arith.constant 0 : index
    %get3A_26 = vector.load %arg6[%get3A_24, %get3A_25] : memref<128x128xf32, #tpu.memory_space<vmem>>, vector<128x128xf32>
    %dot_general3A = arith.constant dense<0.000000e+00> : vector<2000x128xf32>
    %dot_general3A_27 = tpu.matmul %max3A_23, %get3A_26, %dot_general3A {dimension_numbers = #tpu.dot_dimension_numbers<[1], [0], [0], [1], [0, 0, 1, 1], [], []>, precision = #tpu.contract_precision<fp32>, transpose_lhs_hint = false} : vector<2000x128xf32>, vector<128x128xf32>, vector<2000x128xf32> -> vector<2000x128xf32>
    %mul3A_28 = vector.broadcast %get3A_1 : vector<2000x1xf32> to vector<2000x128xf32>
    %mul3A_29 = arith.mulf %dot_general3A_27, %mul3A_28 : vector<2000x128xf32>
    %swap3A = arith.constant 0 : index
    %swap3A_30 = arith.constant 0 : index
    %swap3A_31 = vector.load %arg7[%swap3A, %swap3A_30] : memref<2000x128xf32, #tpu.memory_space<vmem>>, vector<2000x128xf32>
    tpu.vector_store %arg7[%swap3A, %swap3A_30], %mul3A_29 {strides = array<i32>} : memref<2000x128xf32, #tpu.memory_space<vmem>>, vector<2000x128xf32>,
    return
  }
  func.func @transform_0(%arg0: i32) -> (i32, i32, i32) {
    %c0_i32 = arith.constant 0 : i32
    %c0_i32_0 = arith.constant 0 : i32
    %c0_i32_1 = arith.constant 0 : i32
    return %c0_i32, %arg0, %c0_i32_0 : i32, i32, i32
  }
  func.func @transform_1(%arg0: i32) -> (i32, i32, i32) {
    %c1_i32 = arith.constant 1 : i32
    %c0_i32 = arith.constant 0 : i32
    %c0_i32_0 = arith.constant 0 : i32
    return %c1_i32, %arg0, %c0_i32 : i32, i32, i32
  }
  func.func @transform_2(%arg0: i32) -> (i32, i32) {
    %c0_i32 = arith.constant 0 : i32
    %c0_i32_0 = arith.constant 0 : i32
    return %arg0, %c0_i32 : i32, i32
  }
  func.func @transform_3(%arg0: i32) -> (i32, i32) {
    %c0_i32 = arith.constant 0 : i32
    %c0_i32_0 = arith.constant 0 : i32
    return %arg0, %c0_i32 : i32, i32
  }
  func.func @transform_4(%arg0: i32) -> (i32, i32) {
    %c0_i32 = arith.constant 0 : i32
    %c0_i32_0 = arith.constant 0 : i32
    %c0_i32_1 = arith.constant 0 : i32
    return %c0_i32, %c0_i32_0 : i32, i32
  }
  func.func @transform_5(%arg0: i32) -> (i32, i32) {
    %c0_i32 = arith.constant 0 : i32
    %c0_i32_0 = arith.constant 0 : i32
    %c0_i32_1 = arith.constant 0 : i32
    return %c0_i32, %c0_i32_0 : i32, i32
  }
  func.func @transform_6(%arg0: i32) -> (i32, i32) {
    %c0_i32 = arith.constant 0 : i32
    %c0_i32_0 = arith.constant 0 : i32
    return %arg0, %c0_i32 : i32, i32
  }
}

module attributes {stable_mosaic.version = 14 : i64} {
  func.func @_tc3_body(%arg0: i32, %arg1: memref<1x2000x128xf32, #tpu.memory_space<vmem>>, %arg2: memref<1x2000x128xf32, #tpu.memory_space<vmem>>, %arg3: memref<2000x128xf32, #tpu.memory_space<vmem>>, %arg4: memref<2000x1xf32, #tpu.memory_space<vmem>>, %arg5: memref<1x128xf32, #tpu.memory_space<vmem>>, %arg6: memref<128x2xf32, #tpu.memory_space<vmem>>, %arg7: memref<1x2xf32, #tpu.memory_space<vmem>>, %arg8: memref<2000x2xf32, #tpu.memory_space<vmem>>, %arg9: memref<2000x128xf32, #tpu.memory_space<vmem>>) attributes {dimension_semantics = [#tpu.dimension_semantics<arbitrary>], iteration_bounds = array<i64: 5>, scalar_prefetch = 0 : i64, scratch_operands = 0 : i64, tpu.core_type = #tpu.core_type<tc>, window_params = [{transform_indices = @transform_0, window_bounds = array<i64: 1, 2000, 128>}, {transform_indices = @transform_1, window_bounds = array<i64: 1, 2000, 128>}, {transform_indices = @transform_2, window_bounds = array<i64: 2000, 128>}, {transform_indices = @transform_3, window_bounds = array<i64: 2000, 1>}, {pipeline_mode = #tpu.pipeline_mode<synchronous>, transform_indices = @transform_4, window_bounds = array<i64: 1, 128>}, {pipeline_mode = #tpu.pipeline_mode<synchronous>, transform_indices = @transform_5, window_bounds = array<i64: 128, 2>}, {pipeline_mode = #tpu.pipeline_mode<synchronous>, transform_indices = @transform_6, window_bounds = array<i64: 1, 2>}, {transform_indices = @transform_7, window_bounds = array<i64: 2000, 2>}, {transform_indices = @transform_8, window_bounds = array<i64: 2000, 128>}]} {
    %get3A = arith.constant 0 : index
    %get3A_0 = arith.constant 0 : index
    %get3A_1 = vector.load %arg4[%get3A, %get3A_0] : memref<2000x1xf32, #tpu.memory_space<vmem>>, vector<2000x1xf32>
    %get3A_2 = arith.constant 0 : index
    %get3A_3 = arith.constant 0 : index
    %get3A_4 = arith.constant 0 : index
    %get3A_5 = vector.load %arg1[%get3A_2, %get3A_3, %get3A_4] : memref<1x2000x128xf32, #tpu.memory_space<vmem>>, vector<1x2000x128xf32>
    %get3A_6 = vector.shape_cast %get3A_5 : vector<1x2000x128xf32> to vector<2000x128xf32>
    %get3A_7 = arith.constant 0 : index
    %get3A_8 = arith.constant 0 : index
    %get3A_9 = arith.constant 0 : index
    %get3A_10 = vector.load %arg2[%get3A_7, %get3A_8, %get3A_9] : memref<1x2000x128xf32, #tpu.memory_space<vmem>>, vector<1x2000x128xf32>
    %get3A_11 = vector.shape_cast %get3A_10 : vector<1x2000x128xf32> to vector<2000x128xf32>
    %add3A = arith.addf %get3A_6, %get3A_11 : vector<2000x128xf32>
    %get3A_12 = arith.constant 0 : index
    %get3A_13 = arith.constant 0 : index
    %get3A_14 = vector.load %arg3[%get3A_12, %get3A_13] : memref<2000x128xf32, #tpu.memory_space<vmem>>, vector<2000x128xf32>
    %add3A_15 = arith.addf %add3A, %get3A_14 : vector<2000x128xf32>
    %mul3A = vector.broadcast %get3A_1 : vector<2000x1xf32> to vector<2000x128xf32>
    %mul3A_16 = arith.mulf %mul3A, %add3A_15 : vector<2000x128xf32>
    %get3A_17 = arith.constant 0 : index
    %get3A_18 = arith.constant 0 : index
    %get3A_19 = vector.load %arg5[%get3A_17, %get3A_18] : memref<1x128xf32, #tpu.memory_space<vmem>>, vector<1x128xf32>
    %add3A_20 = vector.broadcast %get3A_19 : vector<1x128xf32> to vector<2000x128xf32>
    %add3A_21 = arith.addf %mul3A_16, %add3A_20 : vector<2000x128xf32>
    %max3A = arith.constant 0.000000e+00 : f32
    %max3A_22 = vector.broadcast %max3A : f32 to vector<2000x128xf32>
    %max3A_23 = arith.maximumf %add3A_21, %max3A_22 : vector<2000x128xf32>
    %swap3A = arith.constant 0 : index
    %swap3A_24 = arith.constant 0 : index
    %swap3A_25 = vector.load %arg9[%swap3A, %swap3A_24] : memref<2000x128xf32, #tpu.memory_space<vmem>>, vector<2000x128xf32>
    tpu.vector_store %arg9[%swap3A, %swap3A_24], %max3A_23 {strides = array<i32>} : memref<2000x128xf32, #tpu.memory_space<vmem>>, vector<2000x128xf32>,
    %get3A_26 = arith.constant 0 : index
    %get3A_27 = arith.constant 0 : index
    %get3A_28 = vector.load %arg6[%get3A_26, %get3A_27] : memref<128x2xf32, #tpu.memory_space<vmem>>, vector<128x2xf32>
    %dot_general3A = arith.constant dense<0.000000e+00> : vector<2000x2xf32>
    %dot_general3A_29 = tpu.matmul %max3A_23, %get3A_28, %dot_general3A {dimension_numbers = #tpu.dot_dimension_numbers<[1], [0], [0], [1], [0, 0, 1, 1], [], []>, precision = #tpu.contract_precision<fp32>, transpose_lhs_hint = false} : vector<2000x128xf32>, vector<128x2xf32>, vector<2000x2xf32> -> vector<2000x2xf32>
    %get3A_30 = arith.constant 0 : index
    %get3A_31 = arith.constant 0 : index
    %get3A_32 = vector.load %arg7[%get3A_30, %get3A_31] : memref<1x2xf32, #tpu.memory_space<vmem>>, vector<1x2xf32>
    %add3A_33 = vector.broadcast %get3A_32 : vector<1x2xf32> to vector<2000x2xf32>
    %add3A_34 = arith.addf %dot_general3A_29, %add3A_33 : vector<2000x2xf32>
    %swap3A_35 = arith.constant 0 : index
    %swap3A_36 = arith.constant 0 : index
    %swap3A_37 = vector.load %arg8[%swap3A_35, %swap3A_36] : memref<2000x2xf32, #tpu.memory_space<vmem>>, vector<2000x2xf32>
    tpu.vector_store %arg8[%swap3A_35, %swap3A_36], %add3A_34 {strides = array<i32>} : memref<2000x2xf32, #tpu.memory_space<vmem>>, vector<2000x2xf32>,
    return
  }
  func.func @transform_0(%arg0: i32) -> (i32, i32, i32) {
    %c0_i32 = arith.constant 0 : i32
    %c0_i32_0 = arith.constant 0 : i32
    %c0_i32_1 = arith.constant 0 : i32
    return %c0_i32, %arg0, %c0_i32_0 : i32, i32, i32
  }
  func.func @transform_1(%arg0: i32) -> (i32, i32, i32) {
    %c1_i32 = arith.constant 1 : i32
    %c0_i32 = arith.constant 0 : i32
    %c0_i32_0 = arith.constant 0 : i32
    return %c1_i32, %arg0, %c0_i32 : i32, i32, i32
  }
  func.func @transform_2(%arg0: i32) -> (i32, i32) {
    %c0_i32 = arith.constant 0 : i32
    %c0_i32_0 = arith.constant 0 : i32
    return %arg0, %c0_i32 : i32, i32
  }
  func.func @transform_3(%arg0: i32) -> (i32, i32) {
    %c0_i32 = arith.constant 0 : i32
    %c0_i32_0 = arith.constant 0 : i32
    return %arg0, %c0_i32 : i32, i32
  }
  func.func @transform_4(%arg0: i32) -> (i32, i32) {
    %c0_i32 = arith.constant 0 : i32
    %c0_i32_0 = arith.constant 0 : i32
    %c0_i32_1 = arith.constant 0 : i32
    return %c0_i32, %c0_i32_0 : i32, i32
  }
  func.func @transform_5(%arg0: i32) -> (i32, i32) {
    %c0_i32 = arith.constant 0 : i32
    %c0_i32_0 = arith.constant 0 : i32
    %c0_i32_1 = arith.constant 0 : i32
    return %c0_i32, %c0_i32_0 : i32, i32
  }
  func.func @transform_6(%arg0: i32) -> (i32, i32) {
    %c0_i32 = arith.constant 0 : i32
    %c0_i32_0 = arith.constant 0 : i32
    %c0_i32_1 = arith.constant 0 : i32
    return %c0_i32, %c0_i32_0 : i32, i32
  }
  func.func @transform_7(%arg0: i32) -> (i32, i32) {
    %c0_i32 = arith.constant 0 : i32
    %c0_i32_0 = arith.constant 0 : i32
    return %arg0, %c0_i32 : i32, i32
  }
  func.func @transform_8(%arg0: i32) -> (i32, i32) {
    %c0_i32 = arith.constant 0 : i32
    %c0_i32_0 = arith.constant 0 : i32
    return %arg0, %c0_i32 : i32, i32
  }
}

</mosaic_0001>

<sc_bundles>
// kernel: kernel.11.cloned.1.call-start
scs
__scs_entry_jumppad:
0x0: {  	(pc) =	sbr.rel $0x88, $3  }
0x1: {  	(tag) =	ssettag $0x0;
	lr =	simm.s32 $0x1  }
0x2: {  	[smem:$0x3F99] =	sst lr;
	_ =	strace $0xD0000000  }
0x3: {  	_ = 	snop  }
0x4: {  	_ = 	snop  }
0x5: {  	_ = 	snop  }
0x6: {  	_ = 	snop  }
0x7: {  	_ = 	snop  }
__scs_overlays_trampoline_lowered:
0x8: {  	[smem:$0x3FA8] =	sst s0  }
0x9: {  	[smem:$0x3FA9] =	sst s1  }
0xa: {  	[smem:$0x3FAA] =	sst s2  }
0xb: {  	[smem:$0x3FAB] =	sst s3  }
0xc: {  	[smem:$0x3FAC] =	sst s4  }
0xd: {  	[smem:$0x3FAD] =	sst s5  }
0xe: {  	[smem:$0x3FAE] =	sst s6  }
0xf: {  	[smem:$0x3FAF] =	sst s7  }
0x10: {  	[smem:$0x3FB0] =	sst s8  }
0x11: {  	[smem:$0x3FB1] =	sst s9;
	s0 =	simm.s32 @!p0 $0x0  }
0x12: {  	s1 =	sld [smem:$0x3F97];
	s0 =	simm.s32 @p0 $0x1  }
0x13: {  	[smem:$0x3FB2] =	sst s0;
	s0 =	simm.s32 @!p1 $0x0  }
0x14: {  	s2 =	sld [smem:$0x3F96];
	s0 =	simm.s32 @p1 $0x1  }
0x15: {  	[smem:$0x3FB3] =	sst s0;
	s0 =	simm.s32 @!p2 $0x0  }
0x16: {  	s3 =	sld [smem:$0x3FDB];
	s0 =	simm.s32 @p2 $0x1  }
0x17: {  	s4 =	simm.s32 $0x1BF5;
	[smem:$0x3FB5] =	sst s0  }
0x18: {  	s0 =	sld [smem:$0x3F98];
	_ =	swait.ge [sflag:s4], $0x0  }
0x19: {  	s7 =	sld [smem:$0x3F99]  }
0x1a: {  	s8 =	sadd.s32 $0xFFFFE003, lr  }
0x1b: {  	s9 =	sadd.s32 $0xFFFFFEF7, lr;
	s5 =	simm.s32 $0xFFFFFFFF;
	p2 =	slt.u32 s8, $0xFFFFF086  }
0x1c: {  	p1 =	slt.u32 s9, $0xF7A;
	s5 =	simm.s32 @!p2 $0x0  }
0x1d: {  	s5 =	simm.s32 @p1 $0x1;
	p0 =	seq.s32 s7, s2  }
0x1e: {  	s7 =	smul.u32 @!p0 $0xF7A, s2;
	p2 =	seq.s32 @!p0 s5, $0x0  }
0x1f: {  	s9 =	smul.u32 $0xF7A, s1;
	s8 =	simm.s32 @!p0 $0x1BF5;
	p2 =	por !p2, p0  }
0x20: {  	[sflag:s8] =	ssyncset.s32 @!p0 $0xFFFFF086;
	s6 =	sadd.s32 @!p0 s3, s7;
	s7 =	simm.s32 @!p0 $0x108  }
0x21: {  	s3 =	sadd.s32 s3, s9;
	s6 =	sadd.s32 @!p0 $0x88, s6;
	s7 =	simm.s32 @p2 $0x1082  }
0x22: {  	[simem:s7], [sflag:s8] =	dma.local @!p0 [hbm:s6], $0xF7A  }
0x23: {  	s9 =	sor.u32 $0xD0000000, s2;
	s6 =	simm.s32 $0x108;
	_ =	swait.ge @!p0 [sflag:s8], $0x0  }
0x24: {  	s3 =	sadd.s32 $0x88, s3;
	s6 =	simm.s32 @!p1 $0x1082;
	[sflag:s4] =	ssyncset.s32 $0xFFFFF086  }
0x25: {  	[simem:s6], [sflag:s4] =	dma.local [hbm:s3], $0xF7A  }
0x26: {  	[smem:$0x3F99] =	sst s1;
	(tag) =	ssettag s2;
	_ =	strace s9  }
0x27: {  	s1 =	sld [smem:$0x3FA9]  }
0x28: {  	s2 =	sld [smem:$0x3FAA]  }
0x29: {  	s4 =	sld [smem:$0x3FAC]  }
0x2a: {  	p0 =	seq.s32 s5, $0x0;
	s5 =	sld [smem:$0x3FAD]  }
0x2b: {  	s6 =	sld [smem:$0x3FAE]  }
0x2c: {  	s7 =	sld [smem:$0x3FAF]  }
0x2d: {  	s3 =	simm.s32 $0x108;
	s8 =	sld [smem:$0x3FB0]  }
0x2e: {  	s3 =	simm.s32 @!p0 $0x1082;
	s9 =	sld [smem:$0x3FB1]  }
0x2f: {  	lr =	sadd.s32 s0, s3;
	s0 =	sld [smem:$0x3FA8]  }
0x30: {  	s3 =	sld [smem:$0x3FAB]  }
0x31: {  	[smem:$0x3FB4] =	sst s10  }
0x32: {  	s10 =	sld [smem:$0x3FB2];
	_ =	sdelay $0x3  }
0x33: {  	p0 =	seq.s32 s10, $0x1;
	s10 =	sld [smem:$0x3FB4];
	_ =	sdelay $0x3  }
0x34: {  	[smem:$0x3FB4] =	sst s10  }
0x35: {  	s10 =	sld [smem:$0x3FB3];
	_ =	sdelay $0x3  }
0x36: {  	p1 =	seq.s32 s10, $0x1;
	s10 =	sld [smem:$0x3FB4];
	_ =	sdelay $0x3  }
0x37: {  	[smem:$0x3FB4] =	sst s10  }
0x38: {  	s10 =	sld [smem:$0x3FB5]  }
0x39: {  	_ = 	snop;
	(pc) =	sbr.ind lr, $3  }
0x3a: {  	_ = 	snop  }
0x3b: {  	_ = 	snop  }
0x3c: {  	p2 =	seq.s32 s10, $0x1;
	s10 =	sld [smem:$0x3FB4]  }
0x3d: {  	_ =	shalt  }
0x3e: {  	_ =	shalt  }
0x3f: {  	_ =	shalt  }
0x40: {  	_ =	shalt  }
0x41: {  	_ =	shalt  }
0x42: {  	_ =	shalt  }
0x43: {  	_ =	shalt  }
0x44: {  	_ =	shalt  }
0x45: {  	_ =	shalt  }
0x46: {  	_ =	shalt  }
0x47: {  	_ =	shalt  }
0x48: {  	_ =	shalt  }
0x49: {  	_ =	shalt  }
0x4a: {  	_ =	shalt  }
0x4b: {  	_ =	shalt  }
0x4c: {  	_ =	shalt  }
0x4d: {  	_ =	shalt  }
0x4e: {  	_ =	shalt  }
0x4f: {  	_ =	shalt  }
0x50: {  	_ =	shalt  }
0x51: {  	_ =	shalt  }
0x52: {  	_ =	shalt  }
0x53: {  	_ =	shalt  }
0x54: {  	_ =	shalt  }
0x55: {  	_ =	shalt  }
0x56: {  	_ =	shalt  }
0x57: {  	_ =	shalt  }
0x58: {  	_ =	shalt  }
0x59: {  	_ =	shalt  }
0x5a: {  	_ =	shalt  }
0x5b: {  	_ =	shalt  }
0x5c: {  	_ =	shalt  }
0x5d: {  	_ =	shalt  }
0x5e: {  	_ =	shalt  }
0x5f: {  	_ =	shalt  }
0x60: {  	_ =	shalt  }
0x61: {  	_ =	shalt  }
0x62: {  	_ =	shalt  }
0x63: {  	_ =	shalt  }
0x64: {  	_ =	shalt  }
0x65: {  	_ =	shalt  }
0x66: {  	_ =	shalt  }
0x67: {  	_ =	shalt  }
0x68: {  	_ =	shalt  }
0x69: {  	_ =	shalt  }
0x6a: {  	_ =	shalt  }
0x6b: {  	_ =	shalt  }
0x6c: {  	_ =	shalt  }
0x6d: {  	_ =	shalt  }
0x6e: {  	_ =	shalt  }
0x6f: {  	_ =	shalt  }
0x70: {  	_ =	shalt  }
0x71: {  	_ =	shalt  }
0x72: {  	_ =	shalt  }
0x73: {  	_ =	shalt  }
0x74: {  	_ =	shalt  }
0x75: {  	_ =	shalt  }
0x76: {  	_ =	shalt  }
0x77: {  	_ =	shalt  }
0x78: {  	_ =	shalt  }
0x79: {  	_ =	shalt  }
0x7a: {  	_ =	shalt  }
0x7b: {  	_ =	shalt  }
0x7c: {  	_ =	shalt  }
0x7d: {  	_ =	shalt  }
0x7e: {  	_ =	shalt  }
0x7f: {  	_ =	shalt  }
0x80: {  	_ =	shalt  }
0x81: {  	_ =	shalt  }
0x82: {  	_ =	shalt  }
0x83: {  	_ =	shalt  }
0x84: {  	_ =	shalt  }
0x85: {  	_ =	shalt  }
0x86: {  	_ =	shalt  }
0x87: {  	_ =	shalt  }
.Lfunc_end0:
.L_simem_size_0:
called_computation.1_lowered:
.L_overlay_start_0:
0x88: {  	s2 =	sld [smem:$0x3FD9]  }
0x89: {  	s3 =	sld [smem:$0x3FFE];
	_ =	sdelay $0x1  }
0x8a: {  	s1 =	srdreg.scid  }
0x8b: {  	s0 =	sand.u32 $0x1, s1  }
0x8c: {  	s14 =	sshll.u32 s0, $0xA;
	s2 =	sadd.s32 s3, s2  }
0x8d: {  	s2 =	sadd.s32 s2, s14  }
0x8e: {  	[smem:$0x3FC0] =	sst s2  }
0x8f: {  	_ = 	snop  }
0x90: {  	s2 =	sld [smem:$0x3FD0];
	_ =	sdelay $0x2  }
0x91: {  	s15 =	simm.s32 $0xA;
	s4 =	simm.s32 $0x10  }
0x92: {  	[smem:s4], [sflag:s15] =	dma.local [hbm:s2], $0x1  }
0x93: {  	_ =	swait.eq [sflag:s15], $0x1  }
0x94: {  	[sflag:s15] =	ssyncset.done $0x0  }
0x95: {  	[sflag:s15] =	ssyncadd.s32 $0xFFFFFFFF  }
0x96: {  	s16 =	sld [smem:$0x11];
	(tm) =	ssettm $0x1  }
0x97: {  	s17 =	sld [smem:$0x3FFB];
	_ =	sdelay $0x3  }
0x98: {  	_ =	strace s17  }
0x99: {  	s3 =	sld [smem:$0x3FFC];
	_ =	sdelay $0x3  }
0x9a: {  	_ =	strace s3  }
0x9b: {  	s3 =	sld [smem:$0x3FFD];
	_ =	sdelay $0x3  }
0x9c: {  	_ =	strace s3  }
0x9d: {  	_ =	strace $0x8FFFFFFF  }
0x9e: {  	s18 =	sld [smem:$0x3FDB];
	_ =	sdelay $0x1  }
0x9f: {  	s19 =	simm.s32 $_scs_section_size  }
0xa0: {  	s5 =	simm.s32 $_size__tile_overlayer_lowered;
	s6 =	simm.s32 $_tile_overlayer_lowered  }
0xa1: {  	s22 =	simm.s32 $0x1BFF;
	s21 =	sshll.u32 s6, $0x1;
	s3 =	sadd.s32 s19, s18  }
0xa2: {  	s7 =	simm.s32 $0x0;
	s20 =	sshll.u32 s5, $0x1;
	s5 =	sadd.s32 s21, s3  }
0xa3: {  	[timem:s7], [sflag:s22] =	dma.local [hbm:s5], s20  }
0xa4: {  	_ =	swait.ge [sflag:s22], s20  }
0xa5: {  	s4 =	ssub.s32 $0x0, s20;
	[sflag:s22] =	ssyncset.done $0x0  }
0xa6: {  	[sflag:s22] =	ssyncadd.s32 s4;
	_ =	sdelay $0x1  }
0xa7: {  	s23 =	simm.s32 $0x1B8B  }
0xa8: {  	_ =	swait.ge [sflag:s23], $0x1  }
0xa9: {  	[sflag:s23] =	ssyncset.done $0x0  }
0xaa: {  	s25 =	simm.s32 $0x1B8E;
	s24 =	sld [smem:$0x3FFE];
	[sflag:s23] =	ssyncadd.s32 $0xFFFFFFFF  }
0xab: {  	s26 =	simm.s32 $execute0_lowered;
	[smem:$0x3FD2] =	sst s25  }
0xac: {  	s5 =	sshll.u32 s26, $0x1;
	_ =	strace $0x80000049;
	[dreg:$0x1] =	wrdreg $0xFFFFFFFF  }
0xad: {  	s28 =	simm.s32 $_size_execute0_lowered;
	s3 =	sadd.s32 s3, s5;
	[dreg:$0x0] =	wrdreg $0x0  }
0xae: {  	s5 =	sshll.u32 s28, $0x1;
	[dreg:$0x2] =	wrdreg s3  }
0xaf: {  	[dreg:$0x3] =	wrdreg s5  }
0xb0: {  	[dreg:$0x4] =	wrdreg $0xC0  }
0xb1: {  	_ =	task [dreg:s7], $0x5FFFF  }
0xb2: {  	[dreg:$0x1] =	wrdreg $0xFFFFFFFF  }
0xb3: {  	[dreg:$0x0] =	wrdreg $0x60  }
0xb4: {  	[dreg:$0x2] =	wrdreg s16  }
0xb5: {  	[dreg:$0x3] =	wrdreg s24  }
0xb6: {  	[dreg:$0x4] =	wrdreg $0x52000  }
0xb7: {  	[dreg:$0x5] =	wrdreg $0x9  }
0xb8: {  	_ =	task.clear_ibuf [dreg:s7], $0x6FFFF;
	_ =	strace $0x90000049  }
0xb9: {  	s29 =	simm.s32 $0x9;
	_ =	strace $0x8000004B  }
0xba: {  	_ =	swait.ge [sflag:s29], $0x1  }
0xbb: {  	[sflag:s29] =	ssyncadd.s32 $0xFFFFFFFF  }
0xbc: {  	_ =	strace $0x9000004B  }
0xbd: {  	_ =	sfence  }
0xbe: {  	s30 =	sld [smem:$0x0];
	_ =	sdelay $0x2  }
0xbf: {  	s31 =	sshll.u32 s1, $0xD;
	s1 =	sshrl.u32 s1, $0x2  }
0xc0: {  	s3 =	sand.u32 $0x4000, s31;
	s1 =	sadd.s32 s1, s30  }
0xc1: {  	s0 =	sor.u32 s3, s0;
	s1 =	sshll.u32 s1, $0x11  }
0xc2: {  	s0 =	sor.u32 s1, s0  }
0xc3: {  	s0 =	sadd.s32 $0x8F2B, s0  }
0xc4: {  	[sflag:s0] =	ssyncadd.remote.s32 $0x1  }
0xc5: {  	_ =	sfence.sel $0xFFFF  }
0xc6: {  	[dreg:$0x0] =	wrdreg $0xFFFFFFFF;
	(pc) =	sbr.abs _section_cstart, $3  }
0xc7: {  	[dreg:$0x1] =	wrdreg $0xFFFFFFFF  }
0xc8: {  	_ =	task.clear_ibuf [dreg:s7], $0x2FFFF;
	_ =	strace $0x9FFFFFFF  }
0xc9: {  	(tm) =	ssettm $0x7FFFFFFF  }
tec
execute0_lowered:
.L_overlay_start_1:
0x0: {  	(tag) =	ssettag $0x1  }
0x1: {  	s0 =	rddreg [dreg:$0x0]  }
0x2: {  	s1 =	rddreg [dreg:$0x1];
	s2 =	srdreg.scid  }
0x3: {  	s3 =	rddreg [dreg:$0x2];
	s11 =	stileid.u32;
	s4 =	simm.s32 $0x0  }
0x4: {  	s28 =	simm.s32 $0x180;
	s29 =	simm.s32 $0x2A00;
	s7 =	smul.u32 $0x14000, s11  }
0x5: {  	s30 =	simm.s32 $0x1;
	s31 =	simm.s32 $0x2;
	s8 =	smul.u32 $0x50000, s11  }
0x6: {  	s2 =	sand.u32 $0x1, s2;
	[smem:$0x7FF] =	sst s4;
	s24 =	smul.u32 $0x2710, s11  }
0x7: {  	s5 =	sadd.s32 $0x2C00, s1;
	s6 =	smul.u32 $0x140000, s2;
	_ =	strace $0x8000004A  }
0x8: {  	s18 =	ssub.s32 $0x2, s2;
	s9 =	sshll.u32 s2, $0x4;
	s2 =	smul.u32 $0x27100, s2  }
0x9: {  	s10 =	sshrl.u32 s18, $0x1;
	s9 =	sor.u32 s11, s9;
	s8 =	sshrl.u32 s8, $0x2  }
0xa: {  	s7 =	sadd.s32 s7, s6;
	s6 =	sadd.s32 $0xCA00, s1;
	s10 =	ssub.s32 s18, s10  }
0xb: {  	s19 =	smul.u32 $0x2710, s9;
	s2 =	sadd.s32 s24, s2;
	s24 =	simm.s32 $0x100  }
0xc: {  	s7 =	sshrl.u32 s7, $0x3;
	s26 =	sadd.s32 $0x50, s2;
	s18 =	smax.u32 s10, $0x1  }
0xd: {  	s1 =	sadd.s32 s7, s1;
	s7 =	sadd.s32 s8, s3;
	s8 =	sshrl.u32 s19, $0x3  }
0xe: {  	s19 =	sadd.s32 $0xA0, s2;
	s20 =	sadd.s32 $0x2800, s7;
	s21 =	sadd.s32 $0x5000, s7  }
0xf: {  	s22 =	sadd.s32 $0x7800, s7;
	s23 =	sadd.s32 $0xA000, s7;
	[dreg:$0x4] =	wrdreg s20  }
0x10: {  	s25 =	sadd.s32 $0xC800, s7;
	s13 =	sadd.s32 $0xF000, s7;
	[dreg:$0x5] =	wrdreg s21  }
0x11: {  	s14 =	sadd.s32 $0x11800, s7;
	s15 =	sadd.s32 s5, s8;
	[dreg:$0x6] =	wrdreg s22  }
0x12: {  	s16 =	sadd.s32 s6, s8;
	s17 =	sadd.s32 $0x16800, s1;
	[dreg:$0x7] =	wrdreg s23  }
0x13: {  	s1 =	sshrl.u32 s26, $0x3;
	s26 =	simm.s32 $0x80;
	[dreg:$0x8] =	wrdreg s25  }
0x14: {  	s20 =	sadd.s32 s1, s6;
	s21 =	sadd.s32 s1, s5;
	s22 =	simm.s32 $0x200  }
0x15: {  	v0 =	vimm.f32 $0.0e+00;
	s23 =	simm.s32 $0x3;
	s25 =	simm.s32 $0x50;
	s1 =	simm.s32 $0x0  }
.LBB2_1:
0x16: {  	s2 =	simm.s32 $0x0;
	s8 =	simm.s32 $0x200  }
.LBB2_2:
0x17: {  	p0 =	sne.s32 s8, $0x9E00;
	[tilespmem:s2+$0x270] =	vst v0  }
0x18: {  	[tilespmem:s2+$0x200] =	vst v0  }
0x19: {  	[tilespmem:s2+$0x210] =	vst v0  }
.Ltmp0:
0x1a: {  	[tilespmem:s2+$0x220] =	vst v0;
	(pc) =	sbr.rel @p0 .LBB2_2-.Ltmp0, $4  }
0x1b: {  	[tilespmem:s2+$0x230] =	vst v0  }
0x1c: {  	[tilespmem:s2+$0x240] =	vst v0  }
0x1d: {  	[tilespmem:s2+$0x250] =	vst v0  }
0x1e: {  	[tilespmem:s2+$0x260] =	vst v0;
	s2 =	sshra.s32 s8, $0x2;
	s8 =	sadd.s32 $0x200, s8  }
0x1f: {  	[tilespmem:s2+$0x270] =	vst v0  }
0x20: {  	[tilespmem:s2+$0x200] =	vst v0  }
0x21: {  	[tilespmem:s2+$0x210] =	vst v0  }
0x22: {  	[tilespmem:s2+$0x220] =	vst v0  }
0x23: {  	[tilespmem:s2+$0x230] =	vst v0  }
0x24: {  	[tilespmem:s2+$0x240] =	vst v0  }
0x25: {  	[tilespmem:s2+$0x250] =	vst v0  }
0x26: {  	[tilespmem:s2+$0x260] =	vst v0  }
0x27: {  	[spmem:s7] =	stream.linear.scatter [tilespmem:s22], [sflag:$0x3], $0x2800, $0x38;
	[tilespmem:$0x19200] =	vst v63  }
0x28: {  	_ =	swait.ge [sflag:s23], $0x2800  }
0x29: {  	[sflag:s23] =	ssyncset.done $0x0  }
0x2a: {  	s9 =	rddreg [dreg:$0x4];
	[sflag:s23] =	ssyncadd.s32 $0xFFFFD800  }
0x2b: {  	[spmem:s9] =	stream.linear.scatter [tilespmem:s22], [sflag:$0x3], $0x2800, $0x38;
	[tilespmem:$0x19200] =	vst v63  }
0x2c: {  	_ =	swait.ge [sflag:s23], $0x2800  }
0x2d: {  	[sflag:s23] =	ssyncset.done $0x0  }
0x2e: {  	s10 =	rddreg [dreg:$0x5];
	[sflag:s23] =	ssyncadd.s32 $0xFFFFD800  }
0x2f: {  	[spmem:s10] =	stream.linear.scatter [tilespmem:s22], [sflag:$0x3], $0x2800, $0x38;
	[tilespmem:$0x19200] =	vst v63  }
0x30: {  	_ =	swait.ge [sflag:s23], $0x2800  }
0x31: {  	[sflag:s23] =	ssyncset.done $0x0  }
0x32: {  	s11 =	rddreg [dreg:$0x6];
	[sflag:s23] =	ssyncadd.s32 $0xFFFFD800  }
0x33: {  	[spmem:s11] =	stream.linear.scatter [tilespmem:s22], [sflag:$0x3], $0x2800, $0x38;
	[tilespmem:$0x19200] =	vst v63  }
0x34: {  	_ =	swait.ge [sflag:s23], $0x2800  }
0x35: {  	[sflag:s23] =	ssyncset.done $0x0  }
0x36: {  	s12 =	rddreg [dreg:$0x7];
	[sflag:s23] =	ssyncadd.s32 $0xFFFFD800  }
0x37: {  	[spmem:s12] =	stream.linear.scatter [tilespmem:s22], [sflag:$0x3], $0x2800, $0x38;
	[tilespmem:$0x19200] =	vst v63  }
0x38: {  	_ =	swait.ge [sflag:s23], $0x2800  }
0x39: {  	[sflag:s23] =	ssyncset.done $0x0  }
0x3a: {  	s8 =	rddreg [dreg:$0x8];
	[sflag:s23] =	ssyncadd.s32 $0xFFFFD800  }
0x3b: {  	[spmem:s8] =	stream.linear.scatter [tilespmem:s22], [sflag:$0x3], $0x2800, $0x38;
	[tilespmem:$0x19200] =	vst v63  }
0x3c: {  	_ =	swait.ge [sflag:s23], $0x2800  }
0x3d: {  	[sflag:s23] =	ssyncset.done $0x0  }
0x3e: {  	[sflag:s23] =	ssyncadd.s32 $0xFFFFD800  }
0x3f: {  	[spmem:s13] =	stream.linear.scatter [tilespmem:s22], [sflag:$0x3], $0x2800, $0x38;
	[tilespmem:$0x19200] =	vst v63  }
0x40: {  	_ =	swait.ge [sflag:s23], $0x2800  }
0x41: {  	[sflag:s23] =	ssyncset.done $0x0  }
0x42: {  	[sflag:s23] =	ssyncadd.s32 $0xFFFFD800  }
0x43: {  	[spmem:s14] =	stream.linear.scatter [tilespmem:s22], [sflag:$0x3], $0x2800, $0x38;
	[tilespmem:$0x19200] =	vst v63  }
0x44: {  	_ =	swait.ge [sflag:s23], $0x2800  }
0x45: {  	[sflag:s23] =	ssyncset.done $0x0  }
0x46: {  	[sflag:s23] =	ssyncadd.s32 $0xFFFFD800  }
0x47: {  	s9 =	simm.s32 $0x0;
	[bflag:$0x0] =	sbarrier.arrive $0xFFFF  }
0x48: {  	[tilespmem:s9], [sflag:$0x3] =	stream.linear.gather [hbm4b:s15+s9], $0x50, $0x38;
	[tilespmem:$0x19200] =	vst v63  }
0x49: {  	_ =	swait.ge [sflag:s23], $0x50  }
0x4a: {  	[sflag:s23] =	ssyncset.done $0x0  }
0x4b: {  	[sflag:s23] =	ssyncadd.s32 $0xFFFFFFB0  }
0x4c: {  	[tilespmem:s24], [sflag:$0x3] =	stream.linear.gather [hbm4b:s16+s9], $0x50, $0x38;
	[tilespmem:$0x19200] =	vst v63  }
0x4d: {  	_ =	swait.ge [sflag:s23], $0x50  }
0x4e: {  	[sflag:s23] =	ssyncset.done $0x0  }
0x4f: {  	[sflag:s23] =	ssyncadd.s32 $0xFFFFFFB0  }
0x50: {  	[tilespmem:s22], [sflag:$0x1] =	stream.indirect.gather [hbm4b:s0+s25], $0x80, s9, s25, $0xb8;
	[tilespmem:$0x19200] =	vst v63  }
0x51: {  	s10 =	sadd.s32 $0x0, s21  }
0x52: {  	[tilespmem:s26], [sflag:$0x3] =	stream.linear.gather [hbm4b:s10+s4], $0x50, $0x38;
	[tilespmem:$0x19200] =	vst v63  }
0x53: {  	_ =	swait.ge [sflag:s23], $0x50  }
0x54: {  	[sflag:s23] =	ssyncset.done $0x0  }
0x55: {  	s11 =	sadd.s32 $0x0, s20;
	[sflag:s23] =	ssyncadd.s32 $0xFFFFFFB0  }
0x56: {  	[tilespmem:s28], [sflag:$0x3] =	stream.linear.gather [hbm4b:s11+s4], $0x50, $0x38;
	[tilespmem:$0x19200] =	vst v63  }
0x57: {  	_ =	swait.ge [sflag:s23], $0x50  }
0x58: {  	[sflag:s23] =	ssyncset.done $0x0  }
0x59: {  	[sflag:s23] =	ssyncadd.s32 $0xFFFFFFB0  }
0x5a: {  	[tilespmem:s29], [sflag:$0x2] =	stream.indirect.gather [hbm4b:s0+s25], $0x80, s26, s25, $0xb8;
	[tilespmem:$0x19200] =	vst v63  }
0x5b: {  	_ =	swait.ge [sflag:s30], $0x2800  }
0x5c: {  	[sflag:s30] =	ssyncset.done $0x0  }
0x5d: {  	[sflag:s30] =	ssyncadd.s32 $0xFFFFD800  }
0x5e: {  	[spmem:s3] =	stream.indirect.scatter.add.f32 [tilespmem:s22], [sflag:$0x3], $0x80, s24, s25, $0xb8;
	[tilespmem:$0x19200] =	vst v63  }
0x5f: {  	_ =	swait.ge [sflag:s23], $0x2800  }
0x60: {  	s12 =	sshrl.u32 s19, $0x3;
	[sflag:s23] =	ssyncset.done $0x0  }
0x61: {  	s8 =	sadd.s32 s5, s12;
	[sflag:s23] =	ssyncadd.s32 $0xFFFFD800  }
0x62: {  	[tilespmem:s4], [sflag:$0x3] =	stream.linear.gather [hbm4b:s8+s4], $0x50, $0x38;
	[tilespmem:$0x19200] =	vst v63  }
0x63: {  	_ =	swait.ge [sflag:s23], $0x50  }
0x64: {  	[sflag:s23] =	ssyncset.done $0x0  }
0x65: {  	s2 =	sadd.s32 s6, s12;
	[sflag:s23] =	ssyncadd.s32 $0xFFFFFFB0  }
0x66: {  	[tilespmem:s24], [sflag:$0x3] =	stream.linear.gather [hbm4b:s2+s4], $0x50, $0x38;
	[tilespmem:$0x19200] =	vst v63  }
0x67: {  	_ =	swait.ge [sflag:s23], $0x50  }
0x68: {  	[sflag:s23] =	ssyncset.done $0x0  }
0x69: {  	[sflag:s23] =	ssyncadd.s32 $0xFFFFFFB0  }
0x6a: {  	[tilespmem:s22], [sflag:$0x1] =	stream.indirect.gather [hbm4b:s0+s25], $0x80, s4, s25, $0xb8;
	[tilespmem:$0x19200] =	vst v63  }
0x6b: {  	_ =	swait.ge [sflag:s31], $0x2800  }
0x6c: {  	[sflag:s31] =	ssyncset.done $0x0  }
0x6d: {  	[sflag:s31] =	ssyncadd.s32 $0xFFFFD800  }
0x6e: {  	[spmem:s3] =	stream.indirect.scatter.add.f32 [tilespmem:s29], [sflag:$0x3], $0x80, s28, s25, $0xb8;
	[tilespmem:$0x19200] =	vst v63  }
0x6f: {  	s9 =	simm.s32 $0x28;
	_ =	swait.ge [sflag:s23], $0x2800  }
0x70: {  	s8 =	simm.s32 $0x14;
	s2 =	sadd.s32 $0xA0, s19;
	[sflag:s23] =	ssyncset.done $0x0  }
.LBB2_4:
0x71: {  	s11 =	sadd.s32 s8, s21  }
0x72: {  	[sflag:s23] =	ssyncadd.s32 $0xFFFFD800;
	s12 =	smov.u32 s9;
	s10 =	sadd.s32 $0x14, s9  }
0x73: {  	[tilespmem:s26], [sflag:$0x3] =	stream.linear.gather [hbm4b:s11+s4], $0x50, $0x38;
	[tilespmem:$0x19200] =	vst v63  }
0x74: {  	p0 =	sne.s32 s9, $0x4C4;
	_ =	swait.ge [sflag:s23], $0x50  }
0x75: {  	[sflag:s23] =	ssyncset.done $0x0  }
0x76: {  	s9 =	sadd.s32 s8, s20;
	s8 =	smov.u32 s12;
	[sflag:s23] =	ssyncadd.s32 $0xFFFFFFB0  }
0x77: {  	[tilespmem:s28], [sflag:$0x3] =	stream.linear.gather [hbm4b:s9+s4], $0x50, $0x38;
	[tilespmem:$0x19200] =	vst v63  }
0x78: {  	_ =	swait.ge [sflag:s23], $0x50  }
0x79: {  	[sflag:s23] =	ssyncset.done $0x0  }
0x7a: {  	[sflag:s23] =	ssyncadd.s32 $0xFFFFFFB0  }
0x7b: {  	[tilespmem:s29], [sflag:$0x2] =	stream.indirect.gather [hbm4b:s0+s25], $0x80, s26, s25, $0xb8;
	[tilespmem:$0x19200] =	vst v63  }
0x7c: {  	_ =	swait.ge [sflag:s30], $0x2800  }
0x7d: {  	[sflag:s30] =	ssyncset.done $0x0  }
0x7e: {  	[sflag:s30] =	ssyncadd.s32 $0xFFFFD800  }
0x7f: {  	[spmem:s3] =	stream.indirect.scatter.add.f32 [tilespmem:s22], [sflag:$0x3], $0x80, s24, s25, $0xb8;
	[tilespmem:$0x19200] =	vst v63  }
0x80: {  	_ =	swait.ge [sflag:s23], $0x2800  }
0x81: {  	s9 =	sshrl.u32 s2, $0x3;
	[sflag:s23] =	ssyncset.done $0x0  }
0x82: {  	s11 =	sadd.s32 s5, s9;
	[sflag:s23] =	ssyncadd.s32 $0xFFFFD800  }
0x83: {  	[tilespmem:s4], [sflag:$0x3] =	stream.linear.gather [hbm4b:s11+s4], $0x50, $0x38;
	[tilespmem:$0x19200] =	vst v63  }
0x84: {  	_ =	swait.ge [sflag:s23], $0x50  }
0x85: {  	[sflag:s23] =	ssyncset.done $0x0  }
0x86: {  	s9 =	sadd.s32 s6, s9;
	[sflag:s23] =	ssyncadd.s32 $0xFFFFFFB0  }
0x87: {  	[tilespmem:s24], [sflag:$0x3] =	stream.linear.gather [hbm4b:s9+s4], $0x50, $0x38;
	[tilespmem:$0x19200] =	vst v63  }
0x88: {  	_ =	swait.ge [sflag:s23], $0x50  }
0x89: {  	[sflag:s23] =	ssyncset.done $0x0  }
0x8a: {  	[sflag:s23] =	ssyncadd.s32 $0xFFFFFFB0  }
0x8b: {  	[tilespmem:s22], [sflag:$0x1] =	stream.indirect.gather [hbm4b:s0+s25], $0x80, s4, s25, $0xb8;
	[tilespmem:$0x19200] =	vst v63  }
0x8c: {  	_ =	swait.ge [sflag:s31], $0x2800  }
.Ltmp1:
0x8d: {  	[sflag:s31] =	ssyncset.done $0x0;
	(pc) =	sbr.rel @p0 .LBB2_4-.Ltmp1, $4  }
0x8e: {  	[sflag:s31] =	ssyncadd.s32 $0xFFFFD800  }
0x8f: {  	[spmem:s3] =	stream.indirect.scatter.add.f32 [tilespmem:s29], [sflag:$0x3], $0x80, s28, s25, $0xb8;
	[tilespmem:$0x19200] =	vst v63  }
0x90: {  	_ =	swait.ge [sflag:s23], $0x2800  }
0x91: {  	s2 =	sadd.s32 $0xA0, s2;
	s9 =	smov.u32 s10;
	[sflag:s23] =	ssyncset.done $0x0  }
0x92: {  	s9 =	sadd.s32 s8, s21;
	[sflag:s23] =	ssyncadd.s32 $0xFFFFD800  }
0x93: {  	[tilespmem:s26], [sflag:$0x3] =	stream.linear.gather [hbm4b:s9+s4], $0x50, $0x38;
	[tilespmem:$0x19200] =	vst v63  }
0x94: {  	_ =	swait.ge [sflag:s23], $0x50  }
0x95: {  	[sflag:s23] =	ssyncset.done $0x0  }
0x96: {  	s9 =	sadd.s32 s8, s20;
	[sflag:s23] =	ssyncadd.s32 $0xFFFFFFB0  }
0x97: {  	[tilespmem:s28], [sflag:$0x3] =	stream.linear.gather [hbm4b:s9+s4], $0x50, $0x38;
	[tilespmem:$0x19200] =	vst v63  }
0x98: {  	_ =	swait.ge [sflag:s23], $0x50  }
0x99: {  	[sflag:s23] =	ssyncset.done $0x0  }
0x9a: {  	[sflag:s23] =	ssyncadd.s32 $0xFFFFFFB0  }
0x9b: {  	[tilespmem:s29], [sflag:$0x2] =	stream.indirect.gather [hbm4b:s0+s25], $0x80, s26, s25, $0xb8;
	[tilespmem:$0x19200] =	vst v63  }
0x9c: {  	_ =	swait.ge [sflag:s30], $0x2800  }
0x9d: {  	[sflag:s30] =	ssyncset.done $0x0  }
0x9e: {  	[sflag:s30] =	ssyncadd.s32 $0xFFFFD800  }
0x9f: {  	[spmem:s3] =	stream.indirect.scatter.add.f32 [tilespmem:s22], [sflag:$0x3], $0x80, s24, s25, $0xb8;
	[tilespmem:$0x19200] =	vst v63  }
0xa0: {  	_ =	swait.ge [sflag:s23], $0x2800  }
0xa1: {  	s2 =	sshrl.u32 s2, $0x3;
	[sflag:s23] =	ssyncset.done $0x0  }
0xa2: {  	s10 =	sadd.s32 s5, s2;
	[sflag:s23] =	ssyncadd.s32 $0xFFFFD800  }
0xa3: {  	[tilespmem:s4], [sflag:$0x3] =	stream.linear.gather [hbm4b:s10+s4], $0x50, $0x38;
	[tilespmem:$0x19200] =	vst v63  }
0xa4: {  	_ =	swait.ge [sflag:s23], $0x50  }
0xa5: {  	[sflag:s23] =	ssyncset.done $0x0  }
0xa6: {  	s2 =	sadd.s32 s6, s2;
	[sflag:s23] =	ssyncadd.s32 $0xFFFFFFB0  }
0xa7: {  	[tilespmem:s24], [sflag:$0x3] =	stream.linear.gather [hbm4b:s2+s4], $0x50, $0x38;
	[tilespmem:$0x19200] =	vst v63  }
0xa8: {  	_ =	swait.ge [sflag:s23], $0x50  }
0xa9: {  	[sflag:s23] =	ssyncset.done $0x0  }
0xaa: {  	[sflag:s23] =	ssyncadd.s32 $0xFFFFFFB0  }
0xab: {  	[tilespmem:s22], [sflag:$0x1] =	stream.indirect.gather [hbm4b:s0+s25], $0x80, s4, s25, $0xb8;
	[tilespmem:$0x19200] =	vst v63  }
0xac: {  	_ =	swait.ge [sflag:s31], $0x2800  }
0xad: {  	[sflag:s31] =	ssyncset.done $0x0  }
0xae: {  	[sflag:s31] =	ssyncadd.s32 $0xFFFFD800  }
0xaf: {  	[spmem:s3] =	stream.indirect.scatter.add.f32 [tilespmem:s29], [sflag:$0x3], $0x80, s28, s25, $0xb8;
	[tilespmem:$0x19200] =	vst v63  }
0xb0: {  	_ =	swait.ge [sflag:s23], $0x2800  }
0xb1: {  	[sflag:s23] =	ssyncset.done $0x0  }
0xb2: {  	[sflag:s23] =	ssyncadd.s32 $0xFFFFD800  }
0xb3: {  	_ =	swait.ge [sflag:s30], $0x2800  }
0xb4: {  	[sflag:s30] =	ssyncset.done $0x0  }
0xb5: {  	[sflag:s30] =	ssyncadd.s32 $0xFFFFD800  }
0xb6: {  	[spmem:s3] =	stream.indirect.scatter.add.f32 [tilespmem:s22], [sflag:$0x3], $0x80, s24, s25, $0xb8;
	[tilespmem:$0x19200] =	vst v63  }
0xb7: {  	s11 =	stileid.u32;
	_ =	swait.ge [sflag:s23], $0x2800  }
0xb8: {  	s12 =	sshrl.u32 s7, $0x3;
	s1 =	sadd.s32 $0x1, s1;
	[sflag:s23] =	ssyncset.done $0x0  }
0xb9: {  	p0 =	sne.s32 s1, s18;
	s2 =	sshll.u32 s11, $0x6;
	[sflag:s23] =	ssyncadd.s32 $0xFFFFD800  }
.Ltmp2:
0xba: {  	s2 =	sor.u32 $0x1C03, s2;
	[bflag:$0x0] =	sbarrier.arrive $0xFFFF;
	(pc) =	sbr.rel @p0 .LBB2_1-.Ltmp2, $4  }
0xbb: {  	[hbm:s17], [sflag:s2] =	dma.local [spmem:s12], $0x2800  }
0xbc: {  	_ =	swait.ge [sflag:s23], $0x2800  }
0xbd: {  	[sflag:s23] =	ssyncset.done $0x0  }
0xbe: {  	[sflag:s23] =	ssyncadd.s32 $0xFFFFD800  }
0xbf: {  	_ =	sfence.sel $0x180000  }
0xc0: {  	[bflag:$0x0] =	sbarrier.arrive $0xFFFF  }
0xc1: {  	_ =	strace $0x9000004A  }
0xc2: {  	s0 =	stileid.u32;
	[bflag:$0x2] =	sbarrier.arrive $0xFFFF  }
0xc3: {  	p0 =	sne.s32 s0, $0x0;
	s0 =	rddreg [dreg:$0x3]  }
0xc4: {  	s0 =	sadd.s32 @!p0 $0x100000, s0  }
0xc5: {  	[sflag:s0] =	ssyncadd.tile.s32 @!p0 $0x1;
	_ =	shalt  }
.Lfunc_end2:
_tile_overlayer_lowered:
.L_overlay_start_2:
0xc6: {  	(tag) =	ssettag $0x2  }
0xc7: {  	s0 =	rddreg [dreg:$0x0];
	s2 =	stileid.u32  }
0xc8: {  	s1 =	rddreg [dreg:$0x1];
	p0 =	sne.s32 s2, $0x0  }
0xc9: {  	s3 =	rddreg [dreg:$0x2];
	[bflag:$0x3] =	sbarrier.arrive $0xFFFF;
	s2 =	simm.s32 @!p0 $0x1C03  }
0xca: {  	[timem:s3], [sflag:s2] =	dma.local @!p0 [hbm:s0], s1  }
0xcb: {  	s0 =	simm.s32 @!p0 $0x3  }
0xcc: {  	_ =	swait.ge @!p0 [sflag:s0], s1  }
0xcd: {  	s1 =	ssub.s32 @!p0 $0x0, s1;
	[sflag:s0] =	ssyncset.done @!p0 $0x0  }
0xce: {  	[sflag:s0] =	ssyncadd.s32 @!p0 s1  }
0xcf: {  	[bflag:$0x3] =	sbarrier.arrive $0xFFFF  }
0xd0: {  	_ =	shalt  }

// kernel: kernel.14.cloned.1.call-start
scs
__scs_entry_jumppad:
0x0: {  	(pc) =	sbr.rel $0x88, $3  }
0x1: {  	(tag) =	ssettag $0x0;
	lr =	simm.s32 $0x1  }
0x2: {  	[smem:$0x3F99] =	sst lr;
	_ =	strace $0xD0000000  }
0x3: {  	_ = 	snop  }
0x4: {  	_ = 	snop  }
0x5: {  	_ = 	snop  }
0x6: {  	_ = 	snop  }
0x7: {  	_ = 	snop  }
__scs_overlays_trampoline_lowered:
0x8: {  	[smem:$0x3FA8] =	sst s0  }
0x9: {  	[smem:$0x3FA9] =	sst s1  }
0xa: {  	[smem:$0x3FAA] =	sst s2  }
0xb: {  	[smem:$0x3FAB] =	sst s3  }
0xc: {  	[smem:$0x3FAC] =	sst s4  }
0xd: {  	[smem:$0x3FAD] =	sst s5  }
0xe: {  	[smem:$0x3FAE] =	sst s6  }
0xf: {  	[smem:$0x3FAF] =	sst s7  }
0x10: {  	[smem:$0x3FB0] =	sst s8  }
0x11: {  	[smem:$0x3FB1] =	sst s9;
	s0 =	simm.s32 @!p0 $0x0  }
0x12: {  	s1 =	sld [smem:$0x3F97];
	s0 =	simm.s32 @p0 $0x1  }
0x13: {  	[smem:$0x3FB2] =	sst s0;
	s0 =	simm.s32 @!p1 $0x0  }
0x14: {  	s2 =	sld [smem:$0x3F96];
	s0 =	simm.s32 @p1 $0x1  }
0x15: {  	[smem:$0x3FB3] =	sst s0;
	s0 =	simm.s32 @!p2 $0x0  }
0x16: {  	s3 =	sld [smem:$0x3FDB];
	s0 =	simm.s32 @p2 $0x1  }
0x17: {  	s4 =	simm.s32 $0x1BF5;
	[smem:$0x3FB5] =	sst s0  }
0x18: {  	s0 =	sld [smem:$0x3F98];
	_ =	swait.ge [sflag:s4], $0x0  }
0x19: {  	s7 =	sld [smem:$0x3F99]  }
0x1a: {  	s8 =	sadd.s32 $0xFFFFE003, lr  }
0x1b: {  	s9 =	sadd.s32 $0xFFFFFEF7, lr;
	s5 =	simm.s32 $0xFFFFFFFF;
	p2 =	slt.u32 s8, $0xFFFFF086  }
0x1c: {  	p1 =	slt.u32 s9, $0xF7A;
	s5 =	simm.s32 @!p2 $0x0  }
0x1d: {  	s5 =	simm.s32 @p1 $0x1;
	p0 =	seq.s32 s7, s2  }
0x1e: {  	s7 =	smul.u32 @!p0 $0xF7A, s2;
	p2 =	seq.s32 @!p0 s5, $0x0  }
0x1f: {  	s9 =	smul.u32 $0xF7A, s1;
	s8 =	simm.s32 @!p0 $0x1BF5;
	p2 =	por !p2, p0  }
0x20: {  	[sflag:s8] =	ssyncset.s32 @!p0 $0xFFFFF086;
	s6 =	sadd.s32 @!p0 s3, s7;
	s7 =	simm.s32 @!p0 $0x108  }
0x21: {  	s3 =	sadd.s32 s3, s9;
	s6 =	sadd.s32 @!p0 $0x88, s6;
	s7 =	simm.s32 @p2 $0x1082  }
0x22: {  	[simem:s7], [sflag:s8] =	dma.local @!p0 [hbm:s6], $0xF7A  }
0x23: {  	s9 =	sor.u32 $0xD0000000, s2;
	s6 =	simm.s32 $0x108;
	_ =	swait.ge @!p0 [sflag:s8], $0x0  }
0x24: {  	s3 =	sadd.s32 $0x88, s3;
	s6 =	simm.s32 @!p1 $0x1082;
	[sflag:s4] =	ssyncset.s32 $0xFFFFF086  }
0x25: {  	[simem:s6], [sflag:s4] =	dma.local [hbm:s3], $0xF7A  }
0x26: {  	[smem:$0x3F99] =	sst s1;
	(tag) =	ssettag s2;
	_ =	strace s9  }
0x27: {  	s1 =	sld [smem:$0x3FA9]  }
0x28: {  	s2 =	sld [smem:$0x3FAA]  }
0x29: {  	s4 =	sld [smem:$0x3FAC]  }
0x2a: {  	p0 =	seq.s32 s5, $0x0;
	s5 =	sld [smem:$0x3FAD]  }
0x2b: {  	s6 =	sld [smem:$0x3FAE]  }
0x2c: {  	s7 =	sld [smem:$0x3FAF]  }
0x2d: {  	s3 =	simm.s32 $0x108;
	s8 =	sld [smem:$0x3FB0]  }
0x2e: {  	s3 =	simm.s32 @!p0 $0x1082;
	s9 =	sld [smem:$0x3FB1]  }
0x2f: {  	lr =	sadd.s32 s0, s3;
	s0 =	sld [smem:$0x3FA8]  }
0x30: {  	s3 =	sld [smem:$0x3FAB]  }
0x31: {  	[smem:$0x3FB4] =	sst s10  }
0x32: {  	s10 =	sld [smem:$0x3FB2];
	_ =	sdelay $0x3  }
0x33: {  	p0 =	seq.s32 s10, $0x1;
	s10 =	sld [smem:$0x3FB4];
	_ =	sdelay $0x3  }
0x34: {  	[smem:$0x3FB4] =	sst s10  }
0x35: {  	s10 =	sld [smem:$0x3FB3];
	_ =	sdelay $0x3  }
0x36: {  	p1 =	seq.s32 s10, $0x1;
	s10 =	sld [smem:$0x3FB4];
	_ =	sdelay $0x3  }
0x37: {  	[smem:$0x3FB4] =	sst s10  }
0x38: {  	s10 =	sld [smem:$0x3FB5]  }
0x39: {  	_ = 	snop;
	(pc) =	sbr.ind lr, $3  }
0x3a: {  	_ = 	snop  }
0x3b: {  	_ = 	snop  }
0x3c: {  	p2 =	seq.s32 s10, $0x1;
	s10 =	sld [smem:$0x3FB4]  }
0x3d: {  	_ =	shalt  }
0x3e: {  	_ =	shalt  }
0x3f: {  	_ =	shalt  }
0x40: {  	_ =	shalt  }
0x41: {  	_ =	shalt  }
0x42: {  	_ =	shalt  }
0x43: {  	_ =	shalt  }
0x44: {  	_ =	shalt  }
0x45: {  	_ =	shalt  }
0x46: {  	_ =	shalt  }
0x47: {  	_ =	shalt  }
0x48: {  	_ =	shalt  }
0x49: {  	_ =	shalt  }
0x4a: {  	_ =	shalt  }
0x4b: {  	_ =	shalt  }
0x4c: {  	_ =	shalt  }
0x4d: {  	_ =	shalt  }
0x4e: {  	_ =	shalt  }
0x4f: {  	_ =	shalt  }
0x50: {  	_ =	shalt  }
0x51: {  	_ =	shalt  }
0x52: {  	_ =	shalt  }
0x53: {  	_ =	shalt  }
0x54: {  	_ =	shalt  }
0x55: {  	_ =	shalt  }
0x56: {  	_ =	shalt  }
0x57: {  	_ =	shalt  }
0x58: {  	_ =	shalt  }
0x59: {  	_ =	shalt  }
0x5a: {  	_ =	shalt  }
0x5b: {  	_ =	shalt  }
0x5c: {  	_ =	shalt  }
0x5d: {  	_ =	shalt  }
0x5e: {  	_ =	shalt  }
0x5f: {  	_ =	shalt  }
0x60: {  	_ =	shalt  }
0x61: {  	_ =	shalt  }
0x62: {  	_ =	shalt  }
0x63: {  	_ =	shalt  }
0x64: {  	_ =	shalt  }
0x65: {  	_ =	shalt  }
0x66: {  	_ =	shalt  }
0x67: {  	_ =	shalt  }
0x68: {  	_ =	shalt  }
0x69: {  	_ =	shalt  }
0x6a: {  	_ =	shalt  }
0x6b: {  	_ =	shalt  }
0x6c: {  	_ =	shalt  }
0x6d: {  	_ =	shalt  }
0x6e: {  	_ =	shalt  }
0x6f: {  	_ =	shalt  }
0x70: {  	_ =	shalt  }
0x71: {  	_ =	shalt  }
0x72: {  	_ =	shalt  }
0x73: {  	_ =	shalt  }
0x74: {  	_ =	shalt  }
0x75: {  	_ =	shalt  }
0x76: {  	_ =	shalt  }
0x77: {  	_ =	shalt  }
0x78: {  	_ =	shalt  }
0x79: {  	_ =	shalt  }
0x7a: {  	_ =	shalt  }
0x7b: {  	_ =	shalt  }
0x7c: {  	_ =	shalt  }
0x7d: {  	_ =	shalt  }
0x7e: {  	_ =	shalt  }
0x7f: {  	_ =	shalt  }
0x80: {  	_ =	shalt  }
0x81: {  	_ =	shalt  }
0x82: {  	_ =	shalt  }
0x83: {  	_ =	shalt  }
0x84: {  	_ =	shalt  }
0x85: {  	_ =	shalt  }
0x86: {  	_ =	shalt  }
0x87: {  	_ =	shalt  }
.Lfunc_end0:
.L_simem_size_0:
called_computation.2_lowered:
.L_overlay_start_0:
0x88: {  	s2 =	sld [smem:$0x3FD9]  }
0x89: {  	s3 =	sld [smem:$0x3FFE];
	_ =	sdelay $0x1  }
0x8a: {  	s1 =	srdreg.scid  }
0x8b: {  	s0 =	sand.u32 $0x1, s1  }
0x8c: {  	s14 =	sshll.u32 s0, $0xA;
	s2 =	sadd.s32 s3, s2  }
0x8d: {  	s2 =	sadd.s32 s2, s14  }
0x8e: {  	[smem:$0x3FC0] =	sst s2  }
0x8f: {  	_ = 	snop  }
0x90: {  	s2 =	sld [smem:$0x3FD0];
	_ =	sdelay $0x2  }
0x91: {  	s15 =	simm.s32 $0xA;
	s4 =	simm.s32 $0x10  }
0x92: {  	[smem:s4], [sflag:s15] =	dma.local [hbm:s2], $0x1  }
0x93: {  	_ =	swait.eq [sflag:s15], $0x1  }
0x94: {  	[sflag:s15] =	ssyncset.done $0x0  }
0x95: {  	[sflag:s15] =	ssyncadd.s32 $0xFFFFFFFF  }
0x96: {  	s16 =	sld [smem:$0x11];
	(tm) =	ssettm $0x1  }
0x97: {  	s17 =	sld [smem:$0x3FFB];
	_ =	sdelay $0x3  }
0x98: {  	_ =	strace s17  }
0x99: {  	s3 =	sld [smem:$0x3FFC];
	_ =	sdelay $0x3  }
0x9a: {  	_ =	strace s3  }
0x9b: {  	s3 =	sld [smem:$0x3FFD];
	_ =	sdelay $0x3  }
0x9c: {  	_ =	strace s3  }
0x9d: {  	_ =	strace $0x8FFFFFFF  }
0x9e: {  	s18 =	sld [smem:$0x3FDB];
	_ =	sdelay $0x1  }
0x9f: {  	s19 =	simm.s32 $_scs_section_size  }
0xa0: {  	s5 =	simm.s32 $_size__tile_overlayer_lowered;
	s6 =	simm.s32 $_tile_overlayer_lowered  }
0xa1: {  	s22 =	simm.s32 $0x1BFF;
	s21 =	sshll.u32 s6, $0x1;
	s3 =	sadd.s32 s19, s18  }
0xa2: {  	s7 =	simm.s32 $0x0;
	s20 =	sshll.u32 s5, $0x1;
	s5 =	sadd.s32 s21, s3  }
0xa3: {  	[timem:s7], [sflag:s22] =	dma.local [hbm:s5], s20  }
0xa4: {  	_ =	swait.ge [sflag:s22], s20  }
0xa5: {  	s4 =	ssub.s32 $0x0, s20;
	[sflag:s22] =	ssyncset.done $0x0  }
0xa6: {  	[sflag:s22] =	ssyncadd.s32 s4;
	_ =	sdelay $0x1  }
0xa7: {  	s23 =	simm.s32 $0x1B8B  }
0xa8: {  	_ =	swait.ge [sflag:s23], $0x1  }
0xa9: {  	[sflag:s23] =	ssyncset.done $0x0  }
0xaa: {  	s25 =	simm.s32 $0x1B8E;
	s24 =	sld [smem:$0x3FFE];
	[sflag:s23] =	ssyncadd.s32 $0xFFFFFFFF  }
0xab: {  	s26 =	simm.s32 $execute0_lowered;
	[smem:$0x3FD2] =	sst s25  }
0xac: {  	s5 =	sshll.u32 s26, $0x1;
	_ =	strace $0x8000004C;
	[dreg:$0x1] =	wrdreg $0xFFFFFFFF  }
0xad: {  	s28 =	simm.s32 $_size_execute0_lowered;
	s3 =	sadd.s32 s3, s5;
	[dreg:$0x0] =	wrdreg $0x0  }
0xae: {  	s5 =	sshll.u32 s28, $0x1;
	[dreg:$0x2] =	wrdreg s3  }
0xaf: {  	[dreg:$0x3] =	wrdreg s5  }
0xb0: {  	[dreg:$0x4] =	wrdreg $0xC0  }
0xb1: {  	_ =	task [dreg:s7], $0x5FFFF  }
0xb2: {  	[dreg:$0x1] =	wrdreg $0xFFFFFFFF  }
0xb3: {  	[dreg:$0x0] =	wrdreg $0x60  }
0xb4: {  	[dreg:$0x2] =	wrdreg s16  }
0xb5: {  	[dreg:$0x3] =	wrdreg s24  }
0xb6: {  	[dreg:$0x4] =	wrdreg $0x52000  }
0xb7: {  	[dreg:$0x5] =	wrdreg $0x9  }
0xb8: {  	_ =	task.clear_ibuf [dreg:s7], $0x6FFFF;
	_ =	strace $0x9000004C  }
0xb9: {  	s29 =	simm.s32 $0x9;
	_ =	strace $0x8000004E  }
0xba: {  	_ =	swait.ge [sflag:s29], $0x1  }
0xbb: {  	[sflag:s29] =	ssyncadd.s32 $0xFFFFFFFF  }
0xbc: {  	_ =	strace $0x9000004E  }
0xbd: {  	_ =	sfence  }
0xbe: {  	s30 =	sld [smem:$0x0];
	_ =	sdelay $0x2  }
0xbf: {  	s31 =	sshll.u32 s1, $0xD;
	s1 =	sshrl.u32 s1, $0x2  }
0xc0: {  	s3 =	sand.u32 $0x4000, s31;
	s1 =	sadd.s32 s1, s30  }
0xc1: {  	s0 =	sor.u32 s3, s0;
	s1 =	sshll.u32 s1, $0x11  }
0xc2: {  	s0 =	sor.u32 s1, s0  }
0xc3: {  	s0 =	sadd.s32 $0x8F2B, s0  }
0xc4: {  	[sflag:s0] =	ssyncadd.remote.s32 $0x1  }
0xc5: {  	_ =	sfence.sel $0xFFFF  }
0xc6: {  	[dreg:$0x0] =	wrdreg $0xFFFFFFFF;
	(pc) =	sbr.abs _section_cstart, $3  }
0xc7: {  	[dreg:$0x1] =	wrdreg $0xFFFFFFFF  }
0xc8: {  	_ =	task.clear_ibuf [dreg:s7], $0x2FFFF;
	_ =	strace $0x9FFFFFFF  }
0xc9: {  	(tm) =	ssettm $0x7FFFFFFF  }
tec
execute0_lowered:
.L_overlay_start_1:
0x0: {  	(tag) =	ssettag $0x1  }
0x1: {  	s0 =	rddreg [dreg:$0x0]  }
0x2: {  	s1 =	rddreg [dreg:$0x1];
	s2 =	srdreg.scid  }
0x3: {  	s3 =	rddreg [dreg:$0x2];
	s11 =	stileid.u32;
	s4 =	simm.s32 $0x0  }
0x4: {  	s28 =	simm.s32 $0x180;
	s29 =	simm.s32 $0x2A00;
	s7 =	smul.u32 $0x14000, s11  }
0x5: {  	s30 =	simm.s32 $0x1;
	s31 =	simm.s32 $0x2;
	s8 =	smul.u32 $0x50000, s11  }
0x6: {  	s2 =	sand.u32 $0x1, s2;
	[smem:$0x7FF] =	sst s4;
	s24 =	smul.u32 $0x2710, s11  }
0x7: {  	s5 =	sadd.s32 $0x2C00, s1;
	s6 =	smul.u32 $0x140000, s2;
	_ =	strace $0x8000004D  }
0x8: {  	s18 =	ssub.s32 $0x2, s2;
	s9 =	sshll.u32 s2, $0x4;
	s2 =	smul.u32 $0x27100, s2  }
0x9: {  	s10 =	sshrl.u32 s18, $0x1;
	s9 =	sor.u32 s11, s9;
	s8 =	sshrl.u32 s8, $0x2  }
0xa: {  	s7 =	sadd.s32 s7, s6;
	s6 =	sadd.s32 $0xCA00, s1;
	s10 =	ssub.s32 s18, s10  }
0xb: {  	s19 =	smul.u32 $0x2710, s9;
	s2 =	sadd.s32 s24, s2;
	s24 =	simm.s32 $0x100  }
0xc: {  	s7 =	sshrl.u32 s7, $0x3;
	s26 =	sadd.s32 $0x50, s2;
	s18 =	smax.u32 s10, $0x1  }
0xd: {  	s1 =	sadd.s32 s7, s1;
	s7 =	sadd.s32 s8, s3;
	s8 =	sshrl.u32 s19, $0x3  }
0xe: {  	s19 =	sadd.s32 $0xA0, s2;
	s20 =	sadd.s32 $0x2800, s7;
	s21 =	sadd.s32 $0x5000, s7  }
0xf: {  	s22 =	sadd.s32 $0x7800, s7;
	s23 =	sadd.s32 $0xA000, s7;
	[dreg:$0x4] =	wrdreg s20  }
0x10: {  	s25 =	sadd.s32 $0xC800, s7;
	s13 =	sadd.s32 $0xF000, s7;
	[dreg:$0x5] =	wrdreg s21  }
0x11: {  	s14 =	sadd.s32 $0x11800, s7;
	s15 =	sadd.s32 s5, s8;
	[dreg:$0x6] =	wrdreg s22  }
0x12: {  	s16 =	sadd.s32 s6, s8;
	s17 =	sadd.s32 $0x16800, s1;
	[dreg:$0x7] =	wrdreg s23  }
0x13: {  	s1 =	sshrl.u32 s26, $0x3;
	s26 =	simm.s32 $0x80;
	[dreg:$0x8] =	wrdreg s25  }
0x14: {  	s20 =	sadd.s32 s1, s6;
	s21 =	sadd.s32 s1, s5;
	s22 =	simm.s32 $0x200  }
0x15: {  	v0 =	vimm.f32 $0.0e+00;
	s23 =	simm.s32 $0x3;
	s25 =	simm.s32 $0x50;
	s1 =	simm.s32 $0x0  }
.LBB2_1:
0x16: {  	s2 =	simm.s32 $0x0;
	s8 =	simm.s32 $0x200  }
.LBB2_2:
0x17: {  	p0 =	sne.s32 s8, $0x9E00;
	[tilespmem:s2+$0x270] =	vst v0  }
0x18: {  	[tilespmem:s2+$0x200] =	vst v0  }
0x19: {  	[tilespmem:s2+$0x210] =	vst v0  }
.Ltmp0:
0x1a: {  	[tilespmem:s2+$0x220] =	vst v0;
	(pc) =	sbr.rel @p0 .LBB2_2-.Ltmp0, $4  }
0x1b: {  	[tilespmem:s2+$0x230] =	vst v0  }
0x1c: {  	[tilespmem:s2+$0x240] =	vst v0  }
0x1d: {  	[tilespmem:s2+$0x250] =	vst v0  }
0x1e: {  	[tilespmem:s2+$0x260] =	vst v0;
	s2 =	sshra.s32 s8, $0x2;
	s8 =	sadd.s32 $0x200, s8  }
0x1f: {  	[tilespmem:s2+$0x270] =	vst v0  }
0x20: {  	[tilespmem:s2+$0x200] =	vst v0  }
0x21: {  	[tilespmem:s2+$0x210] =	vst v0  }
0x22: {  	[tilespmem:s2+$0x220] =	vst v0  }
0x23: {  	[tilespmem:s2+$0x230] =	vst v0  }
0x24: {  	[tilespmem:s2+$0x240] =	vst v0  }
0x25: {  	[tilespmem:s2+$0x250] =	vst v0  }
0x26: {  	[tilespmem:s2+$0x260] =	vst v0  }
0x27: {  	[spmem:s7] =	stream.linear.scatter [tilespmem:s22], [sflag:$0x3], $0x2800, $0x38;
	[tilespmem:$0x19200] =	vst v63  }
0x28: {  	_ =	swait.ge [sflag:s23], $0x2800  }
0x29: {  	[sflag:s23] =	ssyncset.done $0x0  }
0x2a: {  	s9 =	rddreg [dreg:$0x4];
	[sflag:s23] =	ssyncadd.s32 $0xFFFFD800  }
0x2b: {  	[spmem:s9] =	stream.linear.scatter [tilespmem:s22], [sflag:$0x3], $0x2800, $0x38;
	[tilespmem:$0x19200] =	vst v63  }
0x2c: {  	_ =	swait.ge [sflag:s23], $0x2800  }
0x2d: {  	[sflag:s23] =	ssyncset.done $0x0  }
0x2e: {  	s10 =	rddreg [dreg:$0x5];
	[sflag:s23] =	ssyncadd.s32 $0xFFFFD800  }
0x2f: {  	[spmem:s10] =	stream.linear.scatter [tilespmem:s22], [sflag:$0x3], $0x2800, $0x38;
	[tilespmem:$0x19200] =	vst v63  }
0x30: {  	_ =	swait.ge [sflag:s23], $0x2800  }
0x31: {  	[sflag:s23] =	ssyncset.done $0x0  }
0x32: {  	s11 =	rddreg [dreg:$0x6];
	[sflag:s23] =	ssyncadd.s32 $0xFFFFD800  }
0x33: {  	[spmem:s11] =	stream.linear.scatter [tilespmem:s22], [sflag:$0x3], $0x2800, $0x38;
	[tilespmem:$0x19200] =	vst v63  }
0x34: {  	_ =	swait.ge [sflag:s23], $0x2800  }
0x35: {  	[sflag:s23] =	ssyncset.done $0x0  }
0x36: {  	s12 =	rddreg [dreg:$0x7];
	[sflag:s23] =	ssyncadd.s32 $0xFFFFD800  }
0x37: {  	[spmem:s12] =	stream.linear.scatter [tilespmem:s22], [sflag:$0x3], $0x2800, $0x38;
	[tilespmem:$0x19200] =	vst v63  }
0x38: {  	_ =	swait.ge [sflag:s23], $0x2800  }
0x39: {  	[sflag:s23] =	ssyncset.done $0x0  }
0x3a: {  	s8 =	rddreg [dreg:$0x8];
	[sflag:s23] =	ssyncadd.s32 $0xFFFFD800  }
0x3b: {  	[spmem:s8] =	stream.linear.scatter [tilespmem:s22], [sflag:$0x3], $0x2800, $0x38;
	[tilespmem:$0x19200] =	vst v63  }
0x3c: {  	_ =	swait.ge [sflag:s23], $0x2800  }
0x3d: {  	[sflag:s23] =	ssyncset.done $0x0  }
0x3e: {  	[sflag:s23] =	ssyncadd.s32 $0xFFFFD800  }
0x3f: {  	[spmem:s13] =	stream.linear.scatter [tilespmem:s22], [sflag:$0x3], $0x2800, $0x38;
	[tilespmem:$0x19200] =	vst v63  }
0x40: {  	_ =	swait.ge [sflag:s23], $0x2800  }
0x41: {  	[sflag:s23] =	ssyncset.done $0x0  }
0x42: {  	[sflag:s23] =	ssyncadd.s32 $0xFFFFD800  }
0x43: {  	[spmem:s14] =	stream.linear.scatter [tilespmem:s22], [sflag:$0x3], $0x2800, $0x38;
	[tilespmem:$0x19200] =	vst v63  }
0x44: {  	_ =	swait.ge [sflag:s23], $0x2800  }
0x45: {  	[sflag:s23] =	ssyncset.done $0x0  }
0x46: {  	[sflag:s23] =	ssyncadd.s32 $0xFFFFD800  }
0x47: {  	s9 =	simm.s32 $0x0;
	[bflag:$0x0] =	sbarrier.arrive $0xFFFF  }
0x48: {  	[tilespmem:s9], [sflag:$0x3] =	stream.linear.gather [hbm4b:s15+s9], $0x50, $0x38;
	[tilespmem:$0x19200] =	vst v63  }
0x49: {  	_ =	swait.ge [sflag:s23], $0x50  }
0x4a: {  	[sflag:s23] =	ssyncset.done $0x0  }
0x4b: {  	[sflag:s23] =	ssyncadd.s32 $0xFFFFFFB0  }
0x4c: {  	[tilespmem:s24], [sflag:$0x3] =	stream.linear.gather [hbm4b:s16+s9], $0x50, $0x38;
	[tilespmem:$0x19200] =	vst v63  }
0x4d: {  	_ =	swait.ge [sflag:s23], $0x50  }
0x4e: {  	[sflag:s23] =	ssyncset.done $0x0  }
0x4f: {  	[sflag:s23] =	ssyncadd.s32 $0xFFFFFFB0  }
0x50: {  	[tilespmem:s22], [sflag:$0x1] =	stream.indirect.gather [hbm4b:s0+s25], $0x80, s9, s25, $0xb8;
	[tilespmem:$0x19200] =	vst v63  }
0x51: {  	s10 =	sadd.s32 $0x0, s21  }
0x52: {  	[tilespmem:s26], [sflag:$0x3] =	stream.linear.gather [hbm4b:s10+s4], $0x50, $0x38;
	[tilespmem:$0x19200] =	vst v63  }
0x53: {  	_ =	swait.ge [sflag:s23], $0x50  }
0x54: {  	[sflag:s23] =	ssyncset.done $0x0  }
0x55: {  	s11 =	sadd.s32 $0x0, s20;
	[sflag:s23] =	ssyncadd.s32 $0xFFFFFFB0  }
0x56: {  	[tilespmem:s28], [sflag:$0x3] =	stream.linear.gather [hbm4b:s11+s4], $0x50, $0x38;
	[tilespmem:$0x19200] =	vst v63  }
0x57: {  	_ =	swait.ge [sflag:s23], $0x50  }
0x58: {  	[sflag:s23] =	ssyncset.done $0x0  }
0x59: {  	[sflag:s23] =	ssyncadd.s32 $0xFFFFFFB0  }
0x5a: {  	[tilespmem:s29], [sflag:$0x2] =	stream.indirect.gather [hbm4b:s0+s25], $0x80, s26, s25, $0xb8;
	[tilespmem:$0x19200] =	vst v63  }
0x5b: {  	_ =	swait.ge [sflag:s30], $0x2800  }
0x5c: {  	[sflag:s30] =	ssyncset.done $0x0  }
0x5d: {  	[sflag:s30] =	ssyncadd.s32 $0xFFFFD800  }
0x5e: {  	[spmem:s3] =	stream.indirect.scatter.add.f32 [tilespmem:s22], [sflag:$0x3], $0x80, s24, s25, $0xb8;
	[tilespmem:$0x19200] =	vst v63  }
0x5f: {  	_ =	swait.ge [sflag:s23], $0x2800  }
0x60: {  	s12 =	sshrl.u32 s19, $0x3;
	[sflag:s23] =	ssyncset.done $0x0  }
0x61: {  	s8 =	sadd.s32 s5, s12;
	[sflag:s23] =	ssyncadd.s32 $0xFFFFD800  }
0x62: {  	[tilespmem:s4], [sflag:$0x3] =	stream.linear.gather [hbm4b:s8+s4], $0x50, $0x38;
	[tilespmem:$0x19200] =	vst v63  }
0x63: {  	_ =	swait.ge [sflag:s23], $0x50  }
0x64: {  	[sflag:s23] =	ssyncset.done $0x0  }
0x65: {  	s2 =	sadd.s32 s6, s12;
	[sflag:s23] =	ssyncadd.s32 $0xFFFFFFB0  }
0x66: {  	[tilespmem:s24], [sflag:$0x3] =	stream.linear.gather [hbm4b:s2+s4], $0x50, $0x38;
	[tilespmem:$0x19200] =	vst v63  }
0x67: {  	_ =	swait.ge [sflag:s23], $0x50  }
0x68: {  	[sflag:s23] =	ssyncset.done $0x0  }
0x69: {  	[sflag:s23] =	ssyncadd.s32 $0xFFFFFFB0  }
0x6a: {  	[tilespmem:s22], [sflag:$0x1] =	stream.indirect.gather [hbm4b:s0+s25], $0x80, s4, s25, $0xb8;
	[tilespmem:$0x19200] =	vst v63  }
0x6b: {  	_ =	swait.ge [sflag:s31], $0x2800  }
0x6c: {  	[sflag:s31] =	ssyncset.done $0x0  }
0x6d: {  	[sflag:s31] =	ssyncadd.s32 $0xFFFFD800  }
0x6e: {  	[spmem:s3] =	stream.indirect.scatter.add.f32 [tilespmem:s29], [sflag:$0x3], $0x80, s28, s25, $0xb8;
	[tilespmem:$0x19200] =	vst v63  }
0x6f: {  	s9 =	simm.s32 $0x28;
	_ =	swait.ge [sflag:s23], $0x2800  }
0x70: {  	s8 =	simm.s32 $0x14;
	s2 =	sadd.s32 $0xA0, s19;
	[sflag:s23] =	ssyncset.done $0x0  }
.LBB2_4:
0x71: {  	s11 =	sadd.s32 s8, s21  }
0x72: {  	[sflag:s23] =	ssyncadd.s32 $0xFFFFD800;
	s12 =	smov.u32 s9;
	s10 =	sadd.s32 $0x14, s9  }
0x73: {  	[tilespmem:s26], [sflag:$0x3] =	stream.linear.gather [hbm4b:s11+s4], $0x50, $0x38;
	[tilespmem:$0x19200] =	vst v63  }
0x74: {  	p0 =	sne.s32 s9, $0x4C4;
	_ =	swait.ge [sflag:s23], $0x50  }
0x75: {  	[sflag:s23] =	ssyncset.done $0x0  }
0x76: {  	s9 =	sadd.s32 s8, s20;
	s8 =	smov.u32 s12;
	[sflag:s23] =	ssyncadd.s32 $0xFFFFFFB0  }
0x77: {  	[tilespmem:s28], [sflag:$0x3] =	stream.linear.gather [hbm4b:s9+s4], $0x50, $0x38;
	[tilespmem:$0x19200] =	vst v63  }
0x78: {  	_ =	swait.ge [sflag:s23], $0x50  }
0x79: {  	[sflag:s23] =	ssyncset.done $0x0  }
0x7a: {  	[sflag:s23] =	ssyncadd.s32 $0xFFFFFFB0  }
0x7b: {  	[tilespmem:s29], [sflag:$0x2] =	stream.indirect.gather [hbm4b:s0+s25], $0x80, s26, s25, $0xb8;
	[tilespmem:$0x19200] =	vst v63  }
0x7c: {  	_ =	swait.ge [sflag:s30], $0x2800  }
0x7d: {  	[sflag:s30] =	ssyncset.done $0x0  }
0x7e: {  	[sflag:s30] =	ssyncadd.s32 $0xFFFFD800  }
0x7f: {  	[spmem:s3] =	stream.indirect.scatter.add.f32 [tilespmem:s22], [sflag:$0x3], $0x80, s24, s25, $0xb8;
	[tilespmem:$0x19200] =	vst v63  }
0x80: {  	_ =	swait.ge [sflag:s23], $0x2800  }
0x81: {  	s9 =	sshrl.u32 s2, $0x3;
	[sflag:s23] =	ssyncset.done $0x0  }
0x82: {  	s11 =	sadd.s32 s5, s9;
	[sflag:s23] =	ssyncadd.s32 $0xFFFFD800  }
0x83: {  	[tilespmem:s4], [sflag:$0x3] =	stream.linear.gather [hbm4b:s11+s4], $0x50, $0x38;
	[tilespmem:$0x19200] =	vst v63  }
0x84: {  	_ =	swait.ge [sflag:s23], $0x50  }
0x85: {  	[sflag:s23] =	ssyncset.done $0x0  }
0x86: {  	s9 =	sadd.s32 s6, s9;
	[sflag:s23] =	ssyncadd.s32 $0xFFFFFFB0  }
0x87: {  	[tilespmem:s24], [sflag:$0x3] =	stream.linear.gather [hbm4b:s9+s4], $0x50, $0x38;
	[tilespmem:$0x19200] =	vst v63  }
0x88: {  	_ =	swait.ge [sflag:s23], $0x50  }
0x89: {  	[sflag:s23] =	ssyncset.done $0x0  }
0x8a: {  	[sflag:s23] =	ssyncadd.s32 $0xFFFFFFB0  }
0x8b: {  	[tilespmem:s22], [sflag:$0x1] =	stream.indirect.gather [hbm4b:s0+s25], $0x80, s4, s25, $0xb8;
	[tilespmem:$0x19200] =	vst v63  }
0x8c: {  	_ =	swait.ge [sflag:s31], $0x2800  }
.Ltmp1:
0x8d: {  	[sflag:s31] =	ssyncset.done $0x0;
	(pc) =	sbr.rel @p0 .LBB2_4-.Ltmp1, $4  }
0x8e: {  	[sflag:s31] =	ssyncadd.s32 $0xFFFFD800  }
0x8f: {  	[spmem:s3] =	stream.indirect.scatter.add.f32 [tilespmem:s29], [sflag:$0x3], $0x80, s28, s25, $0xb8;
	[tilespmem:$0x19200] =	vst v63  }
0x90: {  	_ =	swait.ge [sflag:s23], $0x2800  }
0x91: {  	s2 =	sadd.s32 $0xA0, s2;
	s9 =	smov.u32 s10;
	[sflag:s23] =	ssyncset.done $0x0  }
0x92: {  	s9 =	sadd.s32 s8, s21;
	[sflag:s23] =	ssyncadd.s32 $0xFFFFD800  }
0x93: {  	[tilespmem:s26], [sflag:$0x3] =	stream.linear.gather [hbm4b:s9+s4], $0x50, $0x38;
	[tilespmem:$0x19200] =	vst v63  }
0x94: {  	_ =	swait.ge [sflag:s23], $0x50  }
0x95: {  	[sflag:s23] =	ssyncset.done $0x0  }
0x96: {  	s9 =	sadd.s32 s8, s20;
	[sflag:s23] =	ssyncadd.s32 $0xFFFFFFB0  }
0x97: {  	[tilespmem:s28], [sflag:$0x3] =	stream.linear.gather [hbm4b:s9+s4], $0x50, $0x38;
	[tilespmem:$0x19200] =	vst v63  }
0x98: {  	_ =	swait.ge [sflag:s23], $0x50  }
0x99: {  	[sflag:s23] =	ssyncset.done $0x0  }
0x9a: {  	[sflag:s23] =	ssyncadd.s32 $0xFFFFFFB0  }
0x9b: {  	[tilespmem:s29], [sflag:$0x2] =	stream.indirect.gather [hbm4b:s0+s25], $0x80, s26, s25, $0xb8;
	[tilespmem:$0x19200] =	vst v63  }
0x9c: {  	_ =	swait.ge [sflag:s30], $0x2800  }
0x9d: {  	[sflag:s30] =	ssyncset.done $0x0  }
0x9e: {  	[sflag:s30] =	ssyncadd.s32 $0xFFFFD800  }
0x9f: {  	[spmem:s3] =	stream.indirect.scatter.add.f32 [tilespmem:s22], [sflag:$0x3], $0x80, s24, s25, $0xb8;
	[tilespmem:$0x19200] =	vst v63  }
0xa0: {  	_ =	swait.ge [sflag:s23], $0x2800  }
0xa1: {  	s2 =	sshrl.u32 s2, $0x3;
	[sflag:s23] =	ssyncset.done $0x0  }
0xa2: {  	s10 =	sadd.s32 s5, s2;
	[sflag:s23] =	ssyncadd.s32 $0xFFFFD800  }
0xa3: {  	[tilespmem:s4], [sflag:$0x3] =	stream.linear.gather [hbm4b:s10+s4], $0x50, $0x38;
	[tilespmem:$0x19200] =	vst v63  }
0xa4: {  	_ =	swait.ge [sflag:s23], $0x50  }
0xa5: {  	[sflag:s23] =	ssyncset.done $0x0  }
0xa6: {  	s2 =	sadd.s32 s6, s2;
	[sflag:s23] =	ssyncadd.s32 $0xFFFFFFB0  }
0xa7: {  	[tilespmem:s24], [sflag:$0x3] =	stream.linear.gather [hbm4b:s2+s4], $0x50, $0x38;
	[tilespmem:$0x19200] =	vst v63  }
0xa8: {  	_ =	swait.ge [sflag:s23], $0x50  }
0xa9: {  	[sflag:s23] =	ssyncset.done $0x0  }
0xaa: {  	[sflag:s23] =	ssyncadd.s32 $0xFFFFFFB0  }
0xab: {  	[tilespmem:s22], [sflag:$0x1] =	stream.indirect.gather [hbm4b:s0+s25], $0x80, s4, s25, $0xb8;
	[tilespmem:$0x19200] =	vst v63  }
0xac: {  	_ =	swait.ge [sflag:s31], $0x2800  }
0xad: {  	[sflag:s31] =	ssyncset.done $0x0  }
0xae: {  	[sflag:s31] =	ssyncadd.s32 $0xFFFFD800  }
0xaf: {  	[spmem:s3] =	stream.indirect.scatter.add.f32 [tilespmem:s29], [sflag:$0x3], $0x80, s28, s25, $0xb8;
	[tilespmem:$0x19200] =	vst v63  }
0xb0: {  	_ =	swait.ge [sflag:s23], $0x2800  }
0xb1: {  	[sflag:s23] =	ssyncset.done $0x0  }
0xb2: {  	[sflag:s23] =	ssyncadd.s32 $0xFFFFD800  }
0xb3: {  	_ =	swait.ge [sflag:s30], $0x2800  }
0xb4: {  	[sflag:s30] =	ssyncset.done $0x0  }
0xb5: {  	[sflag:s30] =	ssyncadd.s32 $0xFFFFD800  }
0xb6: {  	[spmem:s3] =	stream.indirect.scatter.add.f32 [tilespmem:s22], [sflag:$0x3], $0x80, s24, s25, $0xb8;
	[tilespmem:$0x19200] =	vst v63  }
0xb7: {  	s11 =	stileid.u32;
	_ =	swait.ge [sflag:s23], $0x2800  }
0xb8: {  	s12 =	sshrl.u32 s7, $0x3;
	s1 =	sadd.s32 $0x1, s1;
	[sflag:s23] =	ssyncset.done $0x0  }
0xb9: {  	p0 =	sne.s32 s1, s18;
	s2 =	sshll.u32 s11, $0x6;
	[sflag:s23] =	ssyncadd.s32 $0xFFFFD800  }
.Ltmp2:
0xba: {  	s2 =	sor.u32 $0x1C03, s2;
	[bflag:$0x0] =	sbarrier.arrive $0xFFFF;
	(pc) =	sbr.rel @p0 .LBB2_1-.Ltmp2, $4  }
0xbb: {  	[hbm:s17], [sflag:s2] =	dma.local [spmem:s12], $0x2800  }
0xbc: {  	_ =	swait.ge [sflag:s23], $0x2800  }
0xbd: {  	[sflag:s23] =	ssyncset.done $0x0  }
0xbe: {  	[sflag:s23] =	ssyncadd.s32 $0xFFFFD800  }
0xbf: {  	_ =	sfence.sel $0x180000  }
0xc0: {  	[bflag:$0x0] =	sbarrier.arrive $0xFFFF  }
0xc1: {  	_ =	strace $0x9000004D  }
0xc2: {  	s0 =	stileid.u32;
	[bflag:$0x2] =	sbarrier.arrive $0xFFFF  }
0xc3: {  	p0 =	sne.s32 s0, $0x0;
	s0 =	rddreg [dreg:$0x3]  }
0xc4: {  	s0 =	sadd.s32 @!p0 $0x100000, s0  }
0xc5: {  	[sflag:s0] =	ssyncadd.tile.s32 @!p0 $0x1;
	_ =	shalt  }
.Lfunc_end2:
_tile_overlayer_lowered:
.L_overlay_start_2:
0xc6: {  	(tag) =	ssettag $0x2  }
0xc7: {  	s0 =	rddreg [dreg:$0x0];
	s2 =	stileid.u32  }
0xc8: {  	s1 =	rddreg [dreg:$0x1];
	p0 =	sne.s32 s2, $0x0  }
0xc9: {  	s3 =	rddreg [dreg:$0x2];
	[bflag:$0x3] =	sbarrier.arrive $0xFFFF;
	s2 =	simm.s32 @!p0 $0x1C03  }
0xca: {  	[timem:s3], [sflag:s2] =	dma.local @!p0 [hbm:s0], s1  }
0xcb: {  	s0 =	simm.s32 @!p0 $0x3  }
0xcc: {  	_ =	swait.ge @!p0 [sflag:s0], s1  }
0xcd: {  	s1 =	ssub.s32 @!p0 $0x0, s1;
	[sflag:s0] =	ssyncset.done @!p0 $0x0  }
0xce: {  	[sflag:s0] =	ssyncadd.s32 @!p0 s1  }
0xcf: {  	[bflag:$0x3] =	sbarrier.arrive $0xFFFF  }
0xd0: {  	_ =	shalt  }

// kernel: kernel.8.cloned.1.call-start
scs
__scs_entry_jumppad:
0x0: {  	(pc) =	sbr.rel $0x88, $3  }
0x1: {  	(tag) =	ssettag $0x0;
	lr =	simm.s32 $0x1  }
0x2: {  	[smem:$0x3F99] =	sst lr;
	_ =	strace $0xD0000000  }
0x3: {  	_ = 	snop  }
0x4: {  	_ = 	snop  }
0x5: {  	_ = 	snop  }
0x6: {  	_ = 	snop  }
0x7: {  	_ = 	snop  }
__scs_overlays_trampoline_lowered:
0x8: {  	[smem:$0x3FA8] =	sst s0  }
0x9: {  	[smem:$0x3FA9] =	sst s1  }
0xa: {  	[smem:$0x3FAA] =	sst s2  }
0xb: {  	[smem:$0x3FAB] =	sst s3  }
0xc: {  	[smem:$0x3FAC] =	sst s4  }
0xd: {  	[smem:$0x3FAD] =	sst s5  }
0xe: {  	[smem:$0x3FAE] =	sst s6  }
0xf: {  	[smem:$0x3FAF] =	sst s7  }
0x10: {  	[smem:$0x3FB0] =	sst s8  }
0x11: {  	[smem:$0x3FB1] =	sst s9;
	s0 =	simm.s32 @!p0 $0x0  }
0x12: {  	s1 =	sld [smem:$0x3F97];
	s0 =	simm.s32 @p0 $0x1  }
0x13: {  	[smem:$0x3FB2] =	sst s0;
	s0 =	simm.s32 @!p1 $0x0  }
0x14: {  	s2 =	sld [smem:$0x3F96];
	s0 =	simm.s32 @p1 $0x1  }
0x15: {  	[smem:$0x3FB3] =	sst s0;
	s0 =	simm.s32 @!p2 $0x0  }
0x16: {  	s3 =	sld [smem:$0x3FDB];
	s0 =	simm.s32 @p2 $0x1  }
0x17: {  	s4 =	simm.s32 $0x1BF5;
	[smem:$0x3FB5] =	sst s0  }
0x18: {  	s0 =	sld [smem:$0x3F98];
	_ =	swait.ge [sflag:s4], $0x0  }
0x19: {  	s7 =	sld [smem:$0x3F99]  }
0x1a: {  	s8 =	sadd.s32 $0xFFFFE003, lr  }
0x1b: {  	s9 =	sadd.s32 $0xFFFFFEF7, lr;
	s5 =	simm.s32 $0xFFFFFFFF;
	p2 =	slt.u32 s8, $0xFFFFF086  }
0x1c: {  	p1 =	slt.u32 s9, $0xF7A;
	s5 =	simm.s32 @!p2 $0x0  }
0x1d: {  	s5 =	simm.s32 @p1 $0x1;
	p0 =	seq.s32 s7, s2  }
0x1e: {  	s7 =	smul.u32 @!p0 $0xF7A, s2;
	p2 =	seq.s32 @!p0 s5, $0x0  }
0x1f: {  	s9 =	smul.u32 $0xF7A, s1;
	s8 =	simm.s32 @!p0 $0x1BF5;
	p2 =	por !p2, p0  }
0x20: {  	[sflag:s8] =	ssyncset.s32 @!p0 $0xFFFFF086;
	s6 =	sadd.s32 @!p0 s3, s7;
	s7 =	simm.s32 @!p0 $0x108  }
0x21: {  	s3 =	sadd.s32 s3, s9;
	s6 =	sadd.s32 @!p0 $0x88, s6;
	s7 =	simm.s32 @p2 $0x1082  }
0x22: {  	[simem:s7], [sflag:s8] =	dma.local @!p0 [hbm:s6], $0xF7A  }
0x23: {  	s9 =	sor.u32 $0xD0000000, s2;
	s6 =	simm.s32 $0x108;
	_ =	swait.ge @!p0 [sflag:s8], $0x0  }
0x24: {  	s3 =	sadd.s32 $0x88, s3;
	s6 =	simm.s32 @!p1 $0x1082;
	[sflag:s4] =	ssyncset.s32 $0xFFFFF086  }
0x25: {  	[simem:s6], [sflag:s4] =	dma.local [hbm:s3], $0xF7A  }
0x26: {  	[smem:$0x3F99] =	sst s1;
	(tag) =	ssettag s2;
	_ =	strace s9  }
0x27: {  	s1 =	sld [smem:$0x3FA9]  }
0x28: {  	s2 =	sld [smem:$0x3FAA]  }
0x29: {  	s4 =	sld [smem:$0x3FAC]  }
0x2a: {  	p0 =	seq.s32 s5, $0x0;
	s5 =	sld [smem:$0x3FAD]  }
0x2b: {  	s6 =	sld [smem:$0x3FAE]  }
0x2c: {  	s7 =	sld [smem:$0x3FAF]  }
0x2d: {  	s3 =	simm.s32 $0x108;
	s8 =	sld [smem:$0x3FB0]  }
0x2e: {  	s3 =	simm.s32 @!p0 $0x1082;
	s9 =	sld [smem:$0x3FB1]  }
0x2f: {  	lr =	sadd.s32 s0, s3;
	s0 =	sld [smem:$0x3FA8]  }
0x30: {  	s3 =	sld [smem:$0x3FAB]  }
0x31: {  	[smem:$0x3FB4] =	sst s10  }
0x32: {  	s10 =	sld [smem:$0x3FB2];
	_ =	sdelay $0x3  }
0x33: {  	p0 =	seq.s32 s10, $0x1;
	s10 =	sld [smem:$0x3FB4];
	_ =	sdelay $0x3  }
0x34: {  	[smem:$0x3FB4] =	sst s10  }
0x35: {  	s10 =	sld [smem:$0x3FB3];
	_ =	sdelay $0x3  }
0x36: {  	p1 =	seq.s32 s10, $0x1;
	s10 =	sld [smem:$0x3FB4];
	_ =	sdelay $0x3  }
0x37: {  	[smem:$0x3FB4] =	sst s10  }
0x38: {  	s10 =	sld [smem:$0x3FB5]  }
0x39: {  	_ = 	snop;
	(pc) =	sbr.ind lr, $3  }
0x3a: {  	_ = 	snop  }
0x3b: {  	_ = 	snop  }
0x3c: {  	p2 =	seq.s32 s10, $0x1;
	s10 =	sld [smem:$0x3FB4]  }
0x3d: {  	_ =	shalt  }
0x3e: {  	_ =	shalt  }
0x3f: {  	_ =	shalt  }
0x40: {  	_ =	shalt  }
0x41: {  	_ =	shalt  }
0x42: {  	_ =	shalt  }
0x43: {  	_ =	shalt  }
0x44: {  	_ =	shalt  }
0x45: {  	_ =	shalt  }
0x46: {  	_ =	shalt  }
0x47: {  	_ =	shalt  }
0x48: {  	_ =	shalt  }
0x49: {  	_ =	shalt  }
0x4a: {  	_ =	shalt  }
0x4b: {  	_ =	shalt  }
0x4c: {  	_ =	shalt  }
0x4d: {  	_ =	shalt  }
0x4e: {  	_ =	shalt  }
0x4f: {  	_ =	shalt  }
0x50: {  	_ =	shalt  }
0x51: {  	_ =	shalt  }
0x52: {  	_ =	shalt  }
0x53: {  	_ =	shalt  }
0x54: {  	_ =	shalt  }
0x55: {  	_ =	shalt  }
0x56: {  	_ =	shalt  }
0x57: {  	_ =	shalt  }
0x58: {  	_ =	shalt  }
0x59: {  	_ =	shalt  }
0x5a: {  	_ =	shalt  }
0x5b: {  	_ =	shalt  }
0x5c: {  	_ =	shalt  }
0x5d: {  	_ =	shalt  }
0x5e: {  	_ =	shalt  }
0x5f: {  	_ =	shalt  }
0x60: {  	_ =	shalt  }
0x61: {  	_ =	shalt  }
0x62: {  	_ =	shalt  }
0x63: {  	_ =	shalt  }
0x64: {  	_ =	shalt  }
0x65: {  	_ =	shalt  }
0x66: {  	_ =	shalt  }
0x67: {  	_ =	shalt  }
0x68: {  	_ =	shalt  }
0x69: {  	_ =	shalt  }
0x6a: {  	_ =	shalt  }
0x6b: {  	_ =	shalt  }
0x6c: {  	_ =	shalt  }
0x6d: {  	_ =	shalt  }
0x6e: {  	_ =	shalt  }
0x6f: {  	_ =	shalt  }
0x70: {  	_ =	shalt  }
0x71: {  	_ =	shalt  }
0x72: {  	_ =	shalt  }
0x73: {  	_ =	shalt  }
0x74: {  	_ =	shalt  }
0x75: {  	_ =	shalt  }
0x76: {  	_ =	shalt  }
0x77: {  	_ =	shalt  }
0x78: {  	_ =	shalt  }
0x79: {  	_ =	shalt  }
0x7a: {  	_ =	shalt  }
0x7b: {  	_ =	shalt  }
0x7c: {  	_ =	shalt  }
0x7d: {  	_ =	shalt  }
0x7e: {  	_ =	shalt  }
0x7f: {  	_ =	shalt  }
0x80: {  	_ =	shalt  }
0x81: {  	_ =	shalt  }
0x82: {  	_ =	shalt  }
0x83: {  	_ =	shalt  }
0x84: {  	_ =	shalt  }
0x85: {  	_ =	shalt  }
0x86: {  	_ =	shalt  }
0x87: {  	_ =	shalt  }
.Lfunc_end0:
.L_simem_size_0:
called_computation_lowered:
.L_overlay_start_0:
0x88: {  	s2 =	sld [smem:$0x3FD9]  }
0x89: {  	s3 =	sld [smem:$0x3FFE];
	_ =	sdelay $0x1  }
0x8a: {  	s1 =	srdreg.scid  }
0x8b: {  	s0 =	sand.u32 $0x1, s1  }
0x8c: {  	s14 =	sshll.u32 s0, $0xA;
	s2 =	sadd.s32 s3, s2  }
0x8d: {  	s2 =	sadd.s32 s2, s14  }
0x8e: {  	[smem:$0x3FC0] =	sst s2  }
0x8f: {  	_ = 	snop  }
0x90: {  	s2 =	sld [smem:$0x3FD0];
	_ =	sdelay $0x2  }
0x91: {  	s15 =	simm.s32 $0xA;
	s4 =	simm.s32 $0x10  }
0x92: {  	[smem:s4], [sflag:s15] =	dma.local [hbm:s2], $0x1  }
0x93: {  	_ =	swait.eq [sflag:s15], $0x1  }
0x94: {  	[sflag:s15] =	ssyncset.done $0x0  }
0x95: {  	[sflag:s15] =	ssyncadd.s32 $0xFFFFFFFF  }
0x96: {  	s16 =	sld [smem:$0x11];
	(tm) =	ssettm $0x1  }
0x97: {  	s17 =	sld [smem:$0x3FFB];
	_ =	sdelay $0x3  }
0x98: {  	_ =	strace s17  }
0x99: {  	s3 =	sld [smem:$0x3FFC];
	_ =	sdelay $0x3  }
0x9a: {  	_ =	strace s3  }
0x9b: {  	s3 =	sld [smem:$0x3FFD];
	_ =	sdelay $0x3  }
0x9c: {  	_ =	strace s3  }
0x9d: {  	_ =	strace $0x8FFFFFFF  }
0x9e: {  	s18 =	sld [smem:$0x3FDB];
	_ =	sdelay $0x1  }
0x9f: {  	s19 =	simm.s32 $_scs_section_size  }
0xa0: {  	s5 =	simm.s32 $_size__tile_overlayer_lowered;
	s6 =	simm.s32 $_tile_overlayer_lowered  }
0xa1: {  	s22 =	simm.s32 $0x1BFF;
	s21 =	sshll.u32 s6, $0x1;
	s3 =	sadd.s32 s19, s18  }
0xa2: {  	s7 =	simm.s32 $0x0;
	s20 =	sshll.u32 s5, $0x1;
	s5 =	sadd.s32 s21, s3  }
0xa3: {  	[timem:s7], [sflag:s22] =	dma.local [hbm:s5], s20  }
0xa4: {  	_ =	swait.ge [sflag:s22], s20  }
0xa5: {  	s4 =	ssub.s32 $0x0, s20;
	[sflag:s22] =	ssyncset.done $0x0  }
0xa6: {  	[sflag:s22] =	ssyncadd.s32 s4;
	_ =	sdelay $0x1  }
0xa7: {  	s23 =	simm.s32 $0x1B8B  }
0xa8: {  	_ =	swait.ge [sflag:s23], $0x1  }
0xa9: {  	[sflag:s23] =	ssyncset.done $0x0  }
0xaa: {  	s25 =	simm.s32 $0x1B8E;
	s24 =	sld [smem:$0x3FFE];
	[sflag:s23] =	ssyncadd.s32 $0xFFFFFFFF  }
0xab: {  	s26 =	simm.s32 $execute0_lowered;
	[smem:$0x3FD2] =	sst s25  }
0xac: {  	s5 =	sshll.u32 s26, $0x1;
	_ =	strace $0x80000046;
	[dreg:$0x1] =	wrdreg $0xFFFFFFFF  }
0xad: {  	s28 =	simm.s32 $_size_execute0_lowered;
	s3 =	sadd.s32 s3, s5;
	[dreg:$0x0] =	wrdreg $0x0  }
0xae: {  	s5 =	sshll.u32 s28, $0x1;
	[dreg:$0x2] =	wrdreg s3  }
0xaf: {  	[dreg:$0x3] =	wrdreg s5  }
0xb0: {  	[dreg:$0x4] =	wrdreg $0xC0  }
0xb1: {  	_ =	task [dreg:s7], $0x5FFFF  }
0xb2: {  	[dreg:$0x1] =	wrdreg $0xFFFFFFFF  }
0xb3: {  	[dreg:$0x0] =	wrdreg $0x60  }
0xb4: {  	[dreg:$0x2] =	wrdreg s16  }
0xb5: {  	[dreg:$0x3] =	wrdreg s24  }
0xb6: {  	[dreg:$0x4] =	wrdreg $0x53000  }
0xb7: {  	[dreg:$0x5] =	wrdreg $0x9  }
0xb8: {  	_ =	task.clear_ibuf [dreg:s7], $0x6FFFF;
	_ =	strace $0x90000046  }
0xb9: {  	s29 =	simm.s32 $0x9;
	_ =	strace $0x80000048  }
0xba: {  	_ =	swait.ge [sflag:s29], $0x1  }
0xbb: {  	[sflag:s29] =	ssyncadd.s32 $0xFFFFFFFF  }
0xbc: {  	_ =	strace $0x90000048  }
0xbd: {  	_ =	sfence  }
0xbe: {  	s30 =	sld [smem:$0x0];
	_ =	sdelay $0x2  }
0xbf: {  	s31 =	sshll.u32 s1, $0xD;
	s1 =	sshrl.u32 s1, $0x2  }
0xc0: {  	s3 =	sand.u32 $0x4000, s31;
	s1 =	sadd.s32 s1, s30  }
0xc1: {  	s0 =	sor.u32 s3, s0;
	s1 =	sshll.u32 s1, $0x11  }
0xc2: {  	s0 =	sor.u32 s1, s0  }
0xc3: {  	s0 =	sadd.s32 $0x8F2B, s0  }
0xc4: {  	[sflag:s0] =	ssyncadd.remote.s32 $0x1  }
0xc5: {  	_ =	sfence.sel $0xFFFF  }
0xc6: {  	[dreg:$0x0] =	wrdreg $0xFFFFFFFF;
	(pc) =	sbr.abs _section_cstart, $3  }
0xc7: {  	[dreg:$0x1] =	wrdreg $0xFFFFFFFF  }
0xc8: {  	_ =	task.clear_ibuf [dreg:s7], $0x2FFFF;
	_ =	strace $0x9FFFFFFF  }
0xc9: {  	(tm) =	ssettm $0x7FFFFFFF  }
tec
execute0_lowered:
.L_overlay_start_1:
0x0: {  	(tag) =	ssettag $0x1  }
0x1: {  	s5 =	rddreg [dreg:$0x0]  }
0x2: {  	s4 =	rddreg [dreg:$0x1]  }
0x3: {  	s2 =	rddreg [dreg:$0x2]  }
0x4: {  	s0 =	rddreg [dreg:$0x3]  }
0x5: {  	s3 =	simm.s32 $0x0;
	s6 =	srdreg.scid;
	s1 =	stileid.u32  }
0x6: {  	s11 =	simm.s32 $0x5000;
	s14 =	simm.s32 $0x20;
	s15 =	simm.s32 $0x10  }
0x7: {  	s16 =	simm.s32 $0x0;
	[smem:$0x7FF] =	sst s3;
	s7 =	smul.u32 $0x500, s1  }
0x8: {  	s6 =	sand.u32 $0x1, s6;
	s30 =	smul.u32 $0xA00, s1;
	s12 =	sshll.u32 s1, $0x6  }
0x9: {  	_ =	strace $0x80000047;
	s8 =	sshll.u32 s6, $0x7;
	s9 =	sshll.u32 s6, $0x4  }
0xa: {  	s6 =	ssub.s32 $0x2, s6;
	s12 =	sor.u32 $0x1C01, s12;
	s7 =	sor.u32 s8, s7  }
0xb: {  	s29 =	sor.u32 s1, s9;
	s31 =	sshrl.u32 s6, $0x1;
	s9 =	sshrl.u32 s30, $0x2  }
0xc: {  	s7 =	sshrl.u32 s7, $0x3;
	s8 =	smul.u32 $0xA00, s29;
	s10 =	ssub.s32 s6, s31  }
0xd: {  	s7 =	sadd.s32 s7, s4;
	s4 =	sadd.s32 s9, s2;
	s9 =	simm.s32 $0x1  }
0xe: {  	s5 =	sadd.s32 s5, s8;
	s6 =	sadd.s32 $0x16800, s7;
	s7 =	smax.u32 s10, $0x1  }
0xf: {  	v0 =	vimm.f32 $1.000000000e+00;
	v1 =	vimm.f32 $0.0e+00;
	s8 =	simm.s32 $0x5080;
	s10 =	simm.s32 $0x40;
	s13 =	sshrl.u32 s4, $0x3  }
.LBB2_1:
0x10: {  	[tilespmem:$0x5000] =	vst v0  }
0x11: {  	[tilespmem:$0x5010] =	vst v0  }
0x12: {  	[tilespmem:$0x5020] =	vst v0  }
0x13: {  	[tilespmem:$0x5030] =	vst v0  }
0x14: {  	[tilespmem:$0x5080] =	vst v1  }
0x15: {  	[tilespmem:$0x5090] =	vst v1  }
0x16: {  	[tilespmem:$0x50A0] =	vst v1  }
0x17: {  	[tilespmem:$0x50B0] =	vst v1  }
0x18: {  	[tilespmem:$0x50C0] =	vst v1  }
0x19: {  	[tilespmem:$0x50D0] =	vst v1  }
0x1a: {  	[tilespmem:$0x50E0] =	vst v1  }
0x1b: {  	[tilespmem:$0x50F0] =	vst v1  }
0x1c: {  	[tilespmem:$0x5100] =	vst v1  }
0x1d: {  	[tilespmem:$0x5110] =	vst v1  }
0x1e: {  	[tilespmem:$0x5120] =	vst v1  }
0x1f: {  	[tilespmem:$0x5130] =	vst v1  }
0x20: {  	[tilespmem:$0x5140] =	vst v1  }
0x21: {  	[tilespmem:$0x5150] =	vst v1  }
0x22: {  	[tilespmem:$0x5160] =	vst v1  }
0x23: {  	[tilespmem:$0x5170] =	vst v1  }
0x24: {  	[tilespmem:$0x5180] =	vst v1  }
0x25: {  	[tilespmem:$0x5190] =	vst v1  }
0x26: {  	[tilespmem:$0x51A0] =	vst v1  }
0x27: {  	[tilespmem:$0x51B0] =	vst v1  }
0x28: {  	[tilespmem:$0x51C0] =	vst v1  }
0x29: {  	[tilespmem:$0x51D0] =	vst v1  }
0x2a: {  	[tilespmem:$0x51E0] =	vst v1  }
0x2b: {  	[tilespmem:$0x51F0] =	vst v1  }
0x2c: {  	[tilespmem:$0x5200] =	vst v1  }
0x2d: {  	[tilespmem:$0x5210] =	vst v1  }
0x2e: {  	[tilespmem:$0x5220] =	vst v1  }
0x2f: {  	[tilespmem:$0x5230] =	vst v1  }
0x30: {  	[tilespmem:$0x5240] =	vst v1  }
0x31: {  	[tilespmem:$0x5250] =	vst v1  }
0x32: {  	[tilespmem:$0x5260] =	vst v1  }
0x33: {  	[tilespmem:$0x5270] =	vst v1  }
0x34: {  	[tilespmem:$0x5280] =	vst v1  }
0x35: {  	[tilespmem:$0x5290] =	vst v1  }
0x36: {  	[tilespmem:$0x52A0] =	vst v1  }
0x37: {  	[tilespmem:$0x52B0] =	vst v1  }
0x38: {  	[tilespmem:$0x52C0] =	vst v1  }
0x39: {  	[tilespmem:$0x52D0] =	vst v1  }
0x3a: {  	[tilespmem:$0x52E0] =	vst v1  }
0x3b: {  	[tilespmem:$0x52F0] =	vst v1  }
0x3c: {  	[spmem:s4] =	stream.linear.scatter [tilespmem:s8], [sflag:$0x1], $0x280, $0x38;
	[tilespmem:$0x5580] =	vst v63  }
0x3d: {  	_ =	swait.ge [sflag:s9], $0x280  }
0x3e: {  	[sflag:s9] =	ssyncset.done $0x0  }
0x3f: {  	[sflag:s9] =	ssyncadd.s32 $0xFFFFFD80  }
0x40: {  	[tilespmem:s3], [sflag:$0x1] =	stream.linear.gather [hbm4b:s5+s3], $0x5000, $0x38;
	[tilespmem:$0x5580] =	vst v63  }
0x41: {  	_ =	swait.ge [sflag:s9], $0x5000  }
0x42: {  	[sflag:s9] =	ssyncset.done $0x0  }
0x43: {  	[sflag:s9] =	ssyncadd.s32 $0xFFFFB000  }
0x44: {  	s17 =	simm.s32 $0x0;
	[bflag:$0x0] =	sbarrier.arrive $0xFFFF  }
0x45: {  	[spmem:s2] =	stream.indirect.scatter.add.f32 [tilespmem:s11], [sflag:$0x1], $0x1, s17, s10, $0xb8;
	[tilespmem:$0x5580] =	vst v63  }
0x46: {  	_ =	swait.ge [sflag:s9], $0x40  }
0x47: {  	s17 =	simm.s32 $0x200;
	[sflag:s9] =	ssyncset.done $0x0  }
.LBB2_2:
0x48: {  	s18 =	sshra.s32 s17, $0x2;
	[sflag:s9] =	ssyncadd.s32 $0xFFFFFFC0;
	p0 =	sne.s32 s17, $0x13E00  }
0x49: {  	[spmem:s2] =	stream.indirect.scatter.add.f32 [tilespmem:s11], [sflag:$0x1], $0x1, s18, s10, $0xb8;
	[tilespmem:$0x5580] =	vst v63  }
.Ltmp0:
0x4a: {  	_ = 	snop;
	(pc) =	sbr.rel @p0 .LBB2_2-.Ltmp0, $4  }
0x4b: {  	_ = 	snop  }
0x4c: {  	s17 =	sadd.s32 $0x200, s17  }
0x4d: {  	_ =	swait.ge [sflag:s9], $0x40  }
0x4e: {  	[sflag:s9] =	ssyncset.done $0x0  }
0x4f: {  	s16 =	sadd.s32 $0x1, s16  }
0x50: {  	[sflag:s9] =	ssyncadd.s32 $0xFFFFFFC0;
	p0 =	sne.s32 s16, s7  }
.Ltmp1:
0x51: {  	[bflag:$0x0] =	sbarrier.arrive $0xFFFF;
	(pc) =	sbr.rel @p0 .LBB2_1-.Ltmp1, $4  }
0x52: {  	[hbm:s6@s14], [sflag:s12] =	dma.strided [spmem:s13@s15], $0x50, s9, $0x10   }
0x53: {  	_ =	swait.ge [sflag:s9], $0x50  }
0x54: {  	[sflag:s9] =	ssyncset.done $0x0  }
0x55: {  	[sflag:s9] =	ssyncadd.s32 $0xFFFFFFB0  }
0x56: {  	_ =	sfence.sel $0x180000  }
0x57: {  	[bflag:$0x0] =	sbarrier.arrive $0xFFFF  }
0x58: {  	p0 =	sne.s32 s1, $0x0;
	_ =	strace $0x90000047  }
0x59: {  	s0 =	sadd.s32 @!p0 $0x100000, s0;
	[bflag:$0x2] =	sbarrier.arrive $0xFFFF  }
0x5a: {  	[sflag:s0] =	ssyncadd.tile.s32 @!p0 $0x1;
	_ =	shalt  }
.Lfunc_end2:
_tile_overlayer_lowered:
.L_overlay_start_2:
0x5b: {  	(tag) =	ssettag $0x2  }
0x5c: {  	s0 =	rddreg [dreg:$0x0];
	s2 =	stileid.u32  }
0x5d: {  	s1 =	rddreg [dreg:$0x1];
	p0 =	sne.s32 s2, $0x0  }
0x5e: {  	s3 =	rddreg [dreg:$0x2];
	[bflag:$0x3] =	sbarrier.arrive $0xFFFF;
	s2 =	simm.s32 @!p0 $0x1C01  }
0x5f: {  	[timem:s3], [sflag:s2] =	dma.local @!p0 [hbm:s0], s1  }
0x60: {  	s0 =	simm.s32 @!p0 $0x1  }
0x61: {  	_ =	swait.ge @!p0 [sflag:s0], s1  }
0x62: {  	s1 =	ssub.s32 @!p0 $0x0, s1;
	[sflag:s0] =	ssyncset.done @!p0 $0x0  }
0x63: {  	[sflag:s0] =	ssyncadd.s32 @!p0 s1  }
0x64: {  	[bflag:$0x3] =	sbarrier.arrive $0xFFFF  }
0x65: {  	_ =	shalt  }

</sc_bundles>
